<compile_context>
chip_gen: v7x
topology: tpu7x:2x2x1
jax: 0.10.2.dev20260603
libtpu: 0.0.44.dev20260713+nightly
codegen_flags: <defaults>
</compile_context>

<pallas_src>
import jax
import jax.numpy as jnp
from jax import lax
from jax.experimental import pallas as pl
from jax.experimental.pallas import tpu as pltpu
from jax.experimental.pallas import tpu_sc as plsc

B = 256
N = 100000
E = 3200000
D = 16
DY = 64

NC = 2
NS = 16
NW = NC * NS
L = 16

CHUNK = 512
CHUNKR = CHUNK // 8
NCHT = E // CHUNK
MAXK = -(-NCHT // NW)
ER = E // 8
NPACK = N // 4
NBANK = 8


def _sc_body(src_hbm, attr2_hbm, batch_hbm,
             out_sum, out_sq, out_max, out_min, out_cnt,
             *scratch):
  (batch_v, idx0, idx1, attr0, attr1,
   acc_sum, acc_sq, acc_cnt) = scratch[:8]
  maxs = scratch[8:8 + NBANK]
  mins = scratch[8 + NBANK:8 + 2 * NBANK]
  si0, sa0, si1, sa1 = scratch[8 + 2 * NBANK:]

  c = lax.axis_index("c")
  s = lax.axis_index("s")
  wid = s * NC + c

  pltpu.sync_copy(batch_hbm, batch_v)

  zeros = jnp.zeros((L,), jnp.float32)
  ninf = jnp.full((L,), -jnp.inf, jnp.float32)
  pinf = jnp.full((L,), jnp.inf, jnp.float32)
  ones = jnp.ones((L,), jnp.float32)

  @pl.loop(0, B)
  def _init(r):
    row = pl.ds(r * L, L)
    acc_sum[row] = zeros
    acc_sq[row] = zeros
    for k in range(NBANK):
      maxs[k][row] = ninf
      mins[k][row] = pinf

  @pl.loop(0, B // L)
  def _initc(r):
    acc_cnt[pl.ds(r * L, L)] = zeros

  def start(ci, idx_b, attr_b, sem_i, sem_a):
    pltpu.async_copy(src_hbm.at[pl.ds(ci * CHUNK, CHUNK)], idx_b, sem_i)
    pltpu.async_copy(attr2_hbm.at[pl.ds(ci * CHUNKR, CHUNKR)], attr_b, sem_a)

  def wait(idx_b, attr_b, sem_i, sem_a):
    pltpu.make_async_copy(src_hbm.at[pl.ds(0, CHUNK)], idx_b, sem_i).wait()
    pltpu.make_async_copy(attr2_hbm.at[pl.ds(0, CHUNKR)], attr_b,
                          sem_a).wait()

  def process(idx_b, attr_b):
    @pl.loop(0, CHUNK // L)
    def _group(g):
      iv = idx_b[pl.ds(g * L, L)]
      w = plsc.load_gather(batch_v, [lax.shift_right_logical(iv, 2)])
      sh = lax.shift_left(jnp.bitwise_and(iv, 3), 3)
      segs = jnp.bitwise_and(lax.shift_right_logical(w, sh), 255)
      plsc.addupdate_scatter(acc_cnt, [segs], ones)
      rows = lax.shift_left(segs, 4)
      for j in range(L):
        row = pl.ds(rows[j], L)
        v = attr_b[2 * g + j // 8, pl.ds((j % 8) * L, L)]
        plsc.addupdate(acc_sum.at[row], v)
        plsc.addupdate(acc_sq.at[row], v * v)
        amax = maxs[j % NBANK]
        amin = mins[j % NBANK]
        amax[row] = jnp.maximum(amax[row], v)
        amin[row] = jnp.minimum(amin[row], v)

  bufs = ((idx0, attr0, si0, sa0), (idx1, attr1, si1, sa1))

  start(wid, *bufs[0])

  @pl.when(wid + NW < NCHT)
  def _():
    start(wid + NW, *bufs[1])

  @pl.loop(0, MAXK, step=2)
  def _pair(k):
    for p in range(2):
      ci = wid + NW * (k + p)

      @pl.when(ci < NCHT)
      def _():
        wait(*bufs[p])
        process(bufs[p][0], bufs[p][1])

      nci = wid + NW * (k + p + 2)

      @pl.when(nci < NCHT)
      def _():
        start(nci, *bufs[p])

  @pl.loop(0, B)
  def _merge(r):
    row = pl.ds(r * L, L)
    m = maxs[0][row]
    n = mins[0][row]
    for k in range(1, NBANK):
      m = jnp.maximum(m, maxs[k][row])
      n = jnp.minimum(n, mins[k][row])
    maxs[0][row] = m
    mins[0][row] = n

  pltpu.sync_copy(acc_sum, out_sum.at[wid])
  pltpu.sync_copy(acc_sq, out_sq.at[wid])
  pltpu.sync_copy(maxs[0], out_max.at[wid])
  pltpu.sync_copy(mins[0], out_min.at[wid])
  pltpu.sync_copy(acc_cnt, out_cnt.at[wid])


def _sc_partials(src, attr_r, batch_packed):
  mesh = plsc.VectorSubcoreMesh(
      core_axis_name="c", subcore_axis_name="s",
      num_cores=NC, num_subcores=NS)
  f32 = jnp.float32
  part = jax.ShapeDtypeStruct((NW, B * L), f32)
  cnt = jax.ShapeDtypeStruct((NW, B), f32)
  fn = pl.kernel(
      _sc_body,
      out_type=[part, part, part, part, cnt],
      mesh=mesh,
      compiler_params=pltpu.CompilerParams(needs_layout_passes=False),
      scratch_types=[
          pltpu.VMEM((NPACK,), jnp.int32),
          pltpu.VMEM((CHUNK,), jnp.int32),
          pltpu.VMEM((CHUNK,), jnp.int32),
          pltpu.VMEM((CHUNKR, 128), f32),
          pltpu.VMEM((CHUNKR, 128), f32),
          pltpu.VMEM((B * L,), f32),
          pltpu.VMEM((B * L,), f32),
          pltpu.VMEM((B,), f32),
      ]
      + [pltpu.VMEM((B * L,), f32) for _ in range(2 * NBANK)]
      + [pltpu.SemaphoreType.DMA] * 4,
  )
  return fn(src, attr_r, batch_packed)


def _finale_body(sum_ref, sq_ref, max_ref, min_ref, cnt_ref,
                 w0, w1, w2, w3, b_ref, out_ref):
  sums = jnp.sum(sum_ref[...], axis=0)
  sqs = jnp.sum(sq_ref[...], axis=0)
  mx = jnp.max(max_ref[...], axis=0)
  mn = jnp.min(min_ref[...], axis=0)
  cnt = jnp.sum(cnt_ref[...], axis=0)
  denom = jnp.maximum(cnt, 1.0)[:, None]
  m = sums / denom
  var = sqs / denom - m * m

  def dot(x, w):
    return lax.dot_general(x, w[...], (((1,), (1,)), ((), ())),
                           preferred_element_type=jnp.float32)

  out_ref[...] = dot(m, w0) + dot(mn, w1) + dot(mx, w2) + dot(var, w3) + b_ref[...]


def _finale(psum, psq, pmax, pmin, pcnt, W, b):
  w0 = W[:, 0:D]
  w1 = W[:, D:2 * D]
  w2 = W[:, 2 * D:3 * D]
  w3 = W[:, 3 * D:4 * D]
  return pl.pallas_call(
      _finale_body,
      out_shape=jax.ShapeDtypeStruct((B, DY), jnp.float32),
  )(psum, psq, pmax, pmin, pcnt, w0, w1, w2, w3, b.reshape(1, DY))


def kernel(edge_index, edge_attr, batch, W, b):
  b4 = batch.astype(jnp.uint32).reshape(NPACK, 4)
  batch_packed = (b4[:, 0] | (b4[:, 1] << 8) | (b4[:, 2] << 16)
                  | (b4[:, 3] << 24)).astype(jnp.int32)
  psum, psq, pmax, pmin, pcnt = _sc_partials(
      edge_index[0], edge_attr.reshape(ER, 128), batch_packed)
  rs = lambda p: p.reshape(NW, B, L)
  return _finale(rs(psum), rs(psq), rs(pmax), rs(pmin), pcnt, W, b)

# --- scband reference (transcript-rebuilt; emitter-appended) ---
"""Pipeline reference for scband-sparse-etoy-51814485459490 (READ-ONLY COPY).

The authoritative reference and input builder live on the scoring server;
editing this copy changes nothing except your own understanding.
"""

import jax, jax.numpy as jnp
import numpy as np

B = 256        # number of graphs (segments)
N = 100000     # n_nodes
E = 3200000    # n_edges
D = 16         # edge feature dim (d)
DY = 64        # output dim (dy)


def setup_inputs(seed: int = 0) -> dict:
    key = jax.random.key(seed)
    k1, k2, k3, k4, k5 = jax.random.split(key, 5)
    edge_index = jax.random.randint(k1, (2, E), 0, N, dtype=jnp.int32)
    edge_attr = jax.random.normal(k2, (E, D), dtype=jnp.float32)
    batch = jnp.sort(jax.random.randint(k3, (N,), 0, B, dtype=jnp.int32))
    # Linear(4*d, dy) parameters
    bound = 1.0 / np.sqrt(4 * D)
    W = jax.random.uniform(k4, (DY, 4 * D), minval=-bound, maxval=bound, dtype=jnp.float32)
    b = jax.random.uniform(k5, (DY,), minval=-bound, maxval=bound, dtype=jnp.float32)
    return {"edge_index": edge_index, "edge_attr": edge_attr, "batch": batch, "W": W, "b": b}


def reference(edge_index, edge_attr, batch, W, b):
    # batchE: segment id per edge (graph of the source node)
    batchE = batch[edge_index[0]]
    ones = jnp.ones((edge_attr.shape[0],), dtype=edge_attr.dtype)
    counts = jax.ops.segment_sum(ones, batchE, num_segments=B)
    denom = jnp.maximum(counts, 1.0)[:, None]
    # global_mean_pool
    s = jax.ops.segment_sum(edge_attr, batchE, num_segments=B)
    m = s / denom
    # global_max_pool and min via -max(-x)
    ma = jax.ops.segment_max(edge_attr, batchE, num_segments=B)
    mi = -jax.ops.segment_max(-edge_attr, batchE, num_segments=B)
    # variance: mean of squared deviations
    diff = edge_attr - m[batchE]
    std = jax.ops.segment_sum(diff * diff, batchE, num_segments=B) / denom
    z = jnp.concatenate([m, mi, ma, std], axis=1)  # [B, 4*D]
    out = z @ W.T + b
    return out

if __name__ == "__main__":
    import jax
    _d = setup_inputs()
    print(jax.jit(kernel)(*tuple(_d.values())))

</pallas_src>

<mosaic_0001>
#map = affine_map<(d0, d1) -> (0)>
#map1 = affine_map<(d0, d1) -> (0, 0)>
module attributes {stable_mosaic.version = 14 : i64} {
  func.func @_sc_body(%arg0: i32, %arg1: i32, %arg2: memref<3200000xi32, #tpu.memory_space<hbm>>, %arg3: memref<400000x128xf32, #tpu.memory_space<hbm>>, %arg4: memref<25000xi32, #tpu.memory_space<hbm>>, %arg5: memref<32x4096xf32, #tpu.memory_space<hbm>>, %arg6: memref<32x4096xf32, #tpu.memory_space<hbm>>, %arg7: memref<32x4096xf32, #tpu.memory_space<hbm>>, %arg8: memref<32x4096xf32, #tpu.memory_space<hbm>>, %arg9: memref<32x256xf32, #tpu.memory_space<hbm>>, %arg10: memref<25000xi32, #tpu.memory_space<vmem>>, %arg11: memref<512xi32, #tpu.memory_space<vmem>>, %arg12: memref<512xi32, #tpu.memory_space<vmem>>, %arg13: memref<64x128xf32, #tpu.memory_space<vmem>>, %arg14: memref<64x128xf32, #tpu.memory_space<vmem>>, %arg15: memref<4096xf32, #tpu.memory_space<vmem>>, %arg16: memref<4096xf32, #tpu.memory_space<vmem>>, %arg17: memref<256xf32, #tpu.memory_space<vmem>>, %arg18: memref<4096xf32, #tpu.memory_space<vmem>>, %arg19: memref<4096xf32, #tpu.memory_space<vmem>>, %arg20: memref<4096xf32, #tpu.memory_space<vmem>>, %arg21: memref<4096xf32, #tpu.memory_space<vmem>>, %arg22: memref<4096xf32, #tpu.memory_space<vmem>>, %arg23: memref<4096xf32, #tpu.memory_space<vmem>>, %arg24: memref<4096xf32, #tpu.memory_space<vmem>>, %arg25: memref<4096xf32, #tpu.memory_space<vmem>>, %arg26: memref<4096xf32, #tpu.memory_space<vmem>>, %arg27: memref<4096xf32, #tpu.memory_space<vmem>>, %arg28: memref<4096xf32, #tpu.memory_space<vmem>>, %arg29: memref<4096xf32, #tpu.memory_space<vmem>>, %arg30: memref<4096xf32, #tpu.memory_space<vmem>>, %arg31: memref<4096xf32, #tpu.memory_space<vmem>>, %arg32: memref<4096xf32, #tpu.memory_space<vmem>>, %arg33: memref<4096xf32, #tpu.memory_space<vmem>>, %arg34: memref<!tpu.dma_semaphore, #tpu.memory_space<semaphore_mem>>, %arg35: memref<!tpu.dma_semaphore, #tpu.memory_space<semaphore_mem>>, %arg36: memref<!tpu.dma_semaphore, #tpu.memory_space<semaphore_mem>>, %arg37: memref<!tpu.dma_semaphore, #tpu.memory_space<semaphore_mem>>) attributes {dimension_semantics = [#tpu.dimension_semantics<core_parallel>, #tpu.dimension_semantics<subcore_parallel>], iteration_bounds = array<i64: 2, 16>, scalar_prefetch = 0 : i64, scratch_operands = 28 : i64, tpu.core_type = #tpu.core_type<sc_vector_subcore>, window_params = [{transform_indices = #map}, {transform_indices = #map1}, {transform_indices = #map}, {transform_indices = #map1}, {transform_indices = #map1}, {transform_indices = #map1}, {transform_indices = #map1}, {transform_indices = #map1}]} {
    %mul3A = arith.constant 2 : i32
    %mul3A_0 = arith.muli %arg1, %mul3A : i32
    %add3A = arith.addi %mul3A_0, %arg0 : i32
    "tpu.region"() ({
      %run_scoped3A = tpu.sem_alloc : memref<!tpu.dma_semaphore, #tpu.memory_space<semaphore_mem>>
      tpu.enqueue_dma source(%arg4 : memref<25000xi32, #tpu.memory_space<hbm>>) target(%arg10 : memref<25000xi32, #tpu.memory_space<vmem>>) target_semaphore(%run_scoped3A : memref<!tpu.dma_semaphore, #tpu.memory_space<semaphore_mem>>)
      tpu.wait_dma2 semaphore(%run_scoped3A : memref<!tpu.dma_semaphore, #tpu.memory_space<semaphore_mem>>) src(%arg4 : memref<25000xi32, #tpu.memory_space<hbm>>) dst(%arg10 : memref<25000xi32, #tpu.memory_space<vmem>>)
      tpu.yield
    }) : () -> ()
    %broadcast_in_dim3A = arith.constant 0.000000e+00 : f32
    %broadcast_in_dim3A_1 = vector.broadcast %broadcast_in_dim3A : f32 to vector<16xf32>
    %broadcast_in_dim3A_2 = arith.constant 0xFF800000 : f32
    %broadcast_in_dim3A_3 = vector.broadcast %broadcast_in_dim3A_2 : f32 to vector<16xf32>
    %broadcast_in_dim3A_4 = arith.constant 0x7F800000 : f32
    %broadcast_in_dim3A_5 = vector.broadcast %broadcast_in_dim3A_4 : f32 to vector<16xf32>
    %broadcast_in_dim3A_6 = arith.constant 1.000000e+00 : f32
    %broadcast_in_dim3A_7 = vector.broadcast %broadcast_in_dim3A_6 : f32 to vector<16xf32>
    %scan3A = arith.constant 0 : i32
    %scan3A_8 = arith.constant 256 : i32
    %scan3A_9 = arith.addi %scan3A, %scan3A_8 : i32
    %scan3A_10 = arith.constant 1 : i32
    scf.for %scan3A_40 = %scan3A to %scan3A_9 step %scan3A_10  : i32 {
      %mul3A_41 = arith.constant 1 : i32
      %mul3A_42 = arith.muli %scan3A_40, %mul3A_41 : i32
      %add3A_43 = arith.constant 0 : i32
      %add3A_44 = arith.addi %add3A_43, %mul3A_42 : i32
      %mul3A_45 = arith.constant 16 : i32
      %mul3A_46 = arith.muli %add3A_44, %mul3A_45 : i32
      %swap3A = arith.index_cast %mul3A_46 : i32 to index
      %swap3A_47 = tpu.vector_load %arg15[%swap3A] {strides = array<i32>} : memref<4096xf32, #tpu.memory_space<vmem>>, vector<16xf32>,
      tpu.vector_store %arg15[%swap3A], %broadcast_in_dim3A_1 {strides = array<i32>} : memref<4096xf32, #tpu.memory_space<vmem>>, vector<16xf32>,
      %swap3A_48 = arith.index_cast %mul3A_46 : i32 to index
      %swap3A_49 = tpu.vector_load %arg16[%swap3A_48] {strides = array<i32>} : memref<4096xf32, #tpu.memory_space<vmem>>, vector<16xf32>,
      tpu.vector_store %arg16[%swap3A_48], %broadcast_in_dim3A_1 {strides = array<i32>} : memref<4096xf32, #tpu.memory_space<vmem>>, vector<16xf32>,
      %swap3A_50 = arith.index_cast %mul3A_46 : i32 to index
      %swap3A_51 = tpu.vector_load %arg18[%swap3A_50] {strides = array<i32>} : memref<4096xf32, #tpu.memory_space<vmem>>, vector<16xf32>,
      tpu.vector_store %arg18[%swap3A_50], %broadcast_in_dim3A_3 {strides = array<i32>} : memref<4096xf32, #tpu.memory_space<vmem>>, vector<16xf32>,
      %swap3A_52 = arith.index_cast %mul3A_46 : i32 to index
      %swap3A_53 = tpu.vector_load %arg26[%swap3A_52] {strides = array<i32>} : memref<4096xf32, #tpu.memory_space<vmem>>, vector<16xf32>,
      tpu.vector_store %arg26[%swap3A_52], %broadcast_in_dim3A_5 {strides = array<i32>} : memref<4096xf32, #tpu.memory_space<vmem>>, vector<16xf32>,
      %swap3A_54 = arith.index_cast %mul3A_46 : i32 to index
      %swap3A_55 = tpu.vector_load %arg19[%swap3A_54] {strides = array<i32>} : memref<4096xf32, #tpu.memory_space<vmem>>, vector<16xf32>,
      tpu.vector_store %arg19[%swap3A_54], %broadcast_in_dim3A_3 {strides = array<i32>} : memref<4096xf32, #tpu.memory_space<vmem>>, vector<16xf32>,
      %swap3A_56 = arith.index_cast %mul3A_46 : i32 to index
      %swap3A_57 = tpu.vector_load %arg27[%swap3A_56] {strides = array<i32>} : memref<4096xf32, #tpu.memory_space<vmem>>, vector<16xf32>,
      tpu.vector_store %arg27[%swap3A_56], %broadcast_in_dim3A_5 {strides = array<i32>} : memref<4096xf32, #tpu.memory_space<vmem>>, vector<16xf32>,
      %swap3A_58 = arith.index_cast %mul3A_46 : i32 to index
      %swap3A_59 = tpu.vector_load %arg20[%swap3A_58] {strides = array<i32>} : memref<4096xf32, #tpu.memory_space<vmem>>, vector<16xf32>,
      tpu.vector_store %arg20[%swap3A_58], %broadcast_in_dim3A_3 {strides = array<i32>} : memref<4096xf32, #tpu.memory_space<vmem>>, vector<16xf32>,
      %swap3A_60 = arith.index_cast %mul3A_46 : i32 to index
      %swap3A_61 = tpu.vector_load %arg28[%swap3A_60] {strides = array<i32>} : memref<4096xf32, #tpu.memory_space<vmem>>, vector<16xf32>,
      tpu.vector_store %arg28[%swap3A_60], %broadcast_in_dim3A_5 {strides = array<i32>} : memref<4096xf32, #tpu.memory_space<vmem>>, vector<16xf32>,
      %swap3A_62 = arith.index_cast %mul3A_46 : i32 to index
      %swap3A_63 = tpu.vector_load %arg21[%swap3A_62] {strides = array<i32>} : memref<4096xf32, #tpu.memory_space<vmem>>, vector<16xf32>,
      tpu.vector_store %arg21[%swap3A_62], %broadcast_in_dim3A_3 {strides = array<i32>} : memref<4096xf32, #tpu.memory_space<vmem>>, vector<16xf32>,
      %swap3A_64 = arith.index_cast %mul3A_46 : i32 to index
      %swap3A_65 = tpu.vector_load %arg29[%swap3A_64] {strides = array<i32>} : memref<4096xf32, #tpu.memory_space<vmem>>, vector<16xf32>,
      tpu.vector_store %arg29[%swap3A_64], %broadcast_in_dim3A_5 {strides = array<i32>} : memref<4096xf32, #tpu.memory_space<vmem>>, vector<16xf32>,
      %swap3A_66 = arith.index_cast %mul3A_46 : i32 to index
      %swap3A_67 = tpu.vector_load %arg22[%swap3A_66] {strides = array<i32>} : memref<4096xf32, #tpu.memory_space<vmem>>, vector<16xf32>,
      tpu.vector_store %arg22[%swap3A_66], %broadcast_in_dim3A_3 {strides = array<i32>} : memref<4096xf32, #tpu.memory_space<vmem>>, vector<16xf32>,
      %swap3A_68 = arith.index_cast %mul3A_46 : i32 to index
      %swap3A_69 = tpu.vector_load %arg30[%swap3A_68] {strides = array<i32>} : memref<4096xf32, #tpu.memory_space<vmem>>, vector<16xf32>,
      tpu.vector_store %arg30[%swap3A_68], %broadcast_in_dim3A_5 {strides = array<i32>} : memref<4096xf32, #tpu.memory_space<vmem>>, vector<16xf32>,
      %swap3A_70 = arith.index_cast %mul3A_46 : i32 to index
      %swap3A_71 = tpu.vector_load %arg23[%swap3A_70] {strides = array<i32>} : memref<4096xf32, #tpu.memory_space<vmem>>, vector<16xf32>,
      tpu.vector_store %arg23[%swap3A_70], %broadcast_in_dim3A_3 {strides = array<i32>} : memref<4096xf32, #tpu.memory_space<vmem>>, vector<16xf32>,
      %swap3A_72 = arith.index_cast %mul3A_46 : i32 to index
      %swap3A_73 = tpu.vector_load %arg31[%swap3A_72] {strides = array<i32>} : memref<4096xf32, #tpu.memory_space<vmem>>, vector<16xf32>,
      tpu.vector_store %arg31[%swap3A_72], %broadcast_in_dim3A_5 {strides = array<i32>} : memref<4096xf32, #tpu.memory_space<vmem>>, vector<16xf32>,
      %swap3A_74 = arith.index_cast %mul3A_46 : i32 to index
      %swap3A_75 = tpu.vector_load %arg24[%swap3A_74] {strides = array<i32>} : memref<4096xf32, #tpu.memory_space<vmem>>, vector<16xf32>,
      tpu.vector_store %arg24[%swap3A_74], %broadcast_in_dim3A_3 {strides = array<i32>} : memref<4096xf32, #tpu.memory_space<vmem>>, vector<16xf32>,
      %swap3A_76 = arith.index_cast %mul3A_46 : i32 to index
      %swap3A_77 = tpu.vector_load %arg32[%swap3A_76] {strides = array<i32>} : memref<4096xf32, #tpu.memory_space<vmem>>, vector<16xf32>,
      tpu.vector_store %arg32[%swap3A_76], %broadcast_in_dim3A_5 {strides = array<i32>} : memref<4096xf32, #tpu.memory_space<vmem>>, vector<16xf32>,
      %swap3A_78 = arith.index_cast %mul3A_46 : i32 to index
      %swap3A_79 = tpu.vector_load %arg25[%swap3A_78] {strides = array<i32>} : memref<4096xf32, #tpu.memory_space<vmem>>, vector<16xf32>,
      tpu.vector_store %arg25[%swap3A_78], %broadcast_in_dim3A_3 {strides = array<i32>} : memref<4096xf32, #tpu.memory_space<vmem>>, vector<16xf32>,
      %swap3A_80 = arith.index_cast %mul3A_46 : i32 to index
      %swap3A_81 = tpu.vector_load %arg33[%swap3A_80] {strides = array<i32>} : memref<4096xf32, #tpu.memory_space<vmem>>, vector<16xf32>,
      tpu.vector_store %arg33[%swap3A_80], %broadcast_in_dim3A_5 {strides = array<i32>} : memref<4096xf32, #tpu.memory_space<vmem>>, vector<16xf32>,
    }
    %scan3A_11 = arith.constant 256 : i32
    %scan3A_12 = arith.constant 0 : i32
    %scan3A_13 = arith.constant 16 : i32
    %scan3A_14 = arith.addi %scan3A_12, %scan3A_13 : i32
    %scan3A_15 = arith.constant 1 : i32
    scf.for %scan3A_40 = %scan3A_12 to %scan3A_14 step %scan3A_15  : i32 {
      %mul3A_41 = arith.constant 1 : i32
      %mul3A_42 = arith.muli %scan3A_40, %mul3A_41 : i32
      %add3A_43 = arith.constant 0 : i32
      %add3A_44 = arith.addi %add3A_43, %mul3A_42 : i32
      %mul3A_45 = arith.constant 16 : i32
      %mul3A_46 = arith.muli %add3A_44, %mul3A_45 : i32
      %swap3A = arith.index_cast %mul3A_46 : i32 to index
      %swap3A_47 = tpu.vector_load %arg17[%swap3A] {strides = array<i32>} : memref<256xf32, #tpu.memory_space<vmem>>, vector<16xf32>,
      tpu.vector_store %arg17[%swap3A], %broadcast_in_dim3A_1 {strides = array<i32>} : memref<256xf32, #tpu.memory_space<vmem>>, vector<16xf32>,
    }
    %scan3A_16 = arith.constant 16 : i32
    %mul3A_17 = arith.constant 512 : i32
    %mul3A_18 = arith.muli %add3A, %mul3A_17 : i32
    %dma_start3A = tpu.memref_slice %arg2[%mul3A_18] : memref<3200000xi32, #tpu.memory_space<hbm>> -> memref<512xi32, #tpu.memory_space<hbm>>
    %dma_start3A_19 = tpu.memref_slice %arg2[%mul3A_18] : memref<3200000xi32, #tpu.memory_space<hbm>> -> memref<512xi32, #tpu.memory_space<hbm>>
    tpu.enqueue_dma source(%dma_start3A_19 : memref<512xi32, #tpu.memory_space<hbm>>) target(%arg11 : memref<512xi32, #tpu.memory_space<vmem>>) target_semaphore(%arg34 : memref<!tpu.dma_semaphore, #tpu.memory_space<semaphore_mem>>)
    %mul3A_20 = arith.constant 64 : i32
    %mul3A_21 = arith.muli %add3A, %mul3A_20 : i32
    %dma_start3A_22 = arith.constant 0 : i32
    %dma_start3A_23 = tpu.memref_slice %arg3[%mul3A_21, %dma_start3A_22] : memref<400000x128xf32, #tpu.memory_space<hbm>> -> memref<64x128xf32, #tpu.memory_space<hbm>>
    %dma_start3A_24 = arith.constant 0 : i32
    %dma_start3A_25 = tpu.memref_slice %arg3[%mul3A_21, %dma_start3A_24] : memref<400000x128xf32, #tpu.memory_space<hbm>> -> memref<64x128xf32, #tpu.memory_space<hbm>>
    tpu.enqueue_dma source(%dma_start3A_25 : memref<64x128xf32, #tpu.memory_space<hbm>>) target(%arg13 : memref<64x128xf32, #tpu.memory_space<vmem>>) target_semaphore(%arg35 : memref<!tpu.dma_semaphore, #tpu.memory_space<semaphore_mem>>)
    %add3A_26 = arith.constant 32 : i32
    %add3A_27 = arith.addi %add3A, %add3A_26 : i32
    %lt3A = arith.constant 6250 : i32
    %lt3A_28 = arith.cmpi slt, %add3A_27, %lt3A : i32
    %convert_element_type3A = arith.extui %lt3A_28 : i1 to i32
    %cond3A = arith.constant 0 : i32
    %cond3A_29 = arith.cmpi ne, %convert_element_type3A, %cond3A : i32
    scf.if %cond3A_29 {
      %add3A_40 = arith.constant 32 : i32
      %add3A_41 = arith.addi %add3A, %add3A_40 : i32
      %mul3A_42 = arith.constant 512 : i32
      %mul3A_43 = arith.muli %add3A_41, %mul3A_42 : i32
      %dma_start3A_44 = tpu.memref_slice %arg2[%mul3A_43] : memref<3200000xi32, #tpu.memory_space<hbm>> -> memref<512xi32, #tpu.memory_space<hbm>>
      %dma_start3A_45 = tpu.memref_slice %arg2[%mul3A_43] : memref<3200000xi32, #tpu.memory_space<hbm>> -> memref<512xi32, #tpu.memory_space<hbm>>
      tpu.enqueue_dma source(%dma_start3A_45 : memref<512xi32, #tpu.memory_space<hbm>>) target(%arg12 : memref<512xi32, #tpu.memory_space<vmem>>) target_semaphore(%arg36 : memref<!tpu.dma_semaphore, #tpu.memory_space<semaphore_mem>>)
      %mul3A_46 = arith.constant 64 : i32
      %mul3A_47 = arith.muli %add3A_41, %mul3A_46 : i32
      %dma_start3A_48 = arith.constant 0 : i32
      %dma_start3A_49 = tpu.memref_slice %arg3[%mul3A_47, %dma_start3A_48] : memref<400000x128xf32, #tpu.memory_space<hbm>> -> memref<64x128xf32, #tpu.memory_space<hbm>>
      %dma_start3A_50 = arith.constant 0 : i32
      %dma_start3A_51 = tpu.memref_slice %arg3[%mul3A_47, %dma_start3A_50] : memref<400000x128xf32, #tpu.memory_space<hbm>> -> memref<64x128xf32, #tpu.memory_space<hbm>>
      tpu.enqueue_dma source(%dma_start3A_51 : memref<64x128xf32, #tpu.memory_space<hbm>>) target(%arg14 : memref<64x128xf32, #tpu.memory_space<vmem>>) target_semaphore(%arg37 : memref<!tpu.dma_semaphore, #tpu.memory_space<semaphore_mem>>)
    } else {
    }
    %scan3A_30 = arith.constant 0 : i32
    %scan3A_31 = arith.constant 98 : i32
    %scan3A_32 = arith.addi %scan3A_30, %scan3A_31 : i32
    %scan3A_33 = arith.constant 1 : i32
    scf.for %scan3A_40 = %scan3A_30 to %scan3A_32 step %scan3A_33  : i32 {
      %mul3A_41 = arith.constant 2 : i32
      %mul3A_42 = arith.muli %scan3A_40, %mul3A_41 : i32
      %add3A_43 = arith.constant 0 : i32
      %add3A_44 = arith.addi %add3A_43, %mul3A_42 : i32
      %add3A_45 = arith.constant 0 : i32
      %add3A_46 = arith.addi %add3A_44, %add3A_45 : i32
      %mul3A_47 = arith.constant 32 : i32
      %mul3A_48 = arith.muli %mul3A_47, %add3A_46 : i32
      %add3A_49 = arith.addi %add3A, %mul3A_48 : i32
      %lt3A_50 = arith.constant 6250 : i32
      %lt3A_51 = arith.cmpi slt, %add3A_49, %lt3A_50 : i32
      %convert_element_type3A_52 = arith.extui %lt3A_51 : i1 to i32
      %cond3A_53 = arith.constant 0 : i32
      %cond3A_54 = arith.cmpi ne, %convert_element_type3A_52, %cond3A_53 : i32
      scf.if %cond3A_54 {
        %dma_wait3A = arith.constant 0 : i32
        %dma_wait3A_89 = tpu.memref_slice %arg2[%dma_wait3A] : memref<3200000xi32, #tpu.memory_space<hbm>> -> memref<512xi32, #tpu.memory_space<hbm>>
        %dma_wait3A_90 = arith.constant 0 : i32
        %dma_wait3A_91 = tpu.memref_slice %arg2[%dma_wait3A_90] : memref<3200000xi32, #tpu.memory_space<hbm>> -> memref<512xi32, #tpu.memory_space<hbm>>
        tpu.wait_dma2 semaphore(%arg34 : memref<!tpu.dma_semaphore, #tpu.memory_space<semaphore_mem>>) src(%dma_wait3A_91 : memref<512xi32, #tpu.memory_space<hbm>>) dst(%arg11 : memref<512xi32, #tpu.memory_space<vmem>>)
        %dma_wait3A_92 = arith.constant 0 : i32
        %dma_wait3A_93 = arith.constant 0 : i32
        %dma_wait3A_94 = tpu.memref_slice %arg3[%dma_wait3A_92, %dma_wait3A_93] : memref<400000x128xf32, #tpu.memory_space<hbm>> -> memref<64x128xf32, #tpu.memory_space<hbm>>
        %dma_wait3A_95 = arith.constant 0 : i32
        %dma_wait3A_96 = arith.constant 0 : i32
        %dma_wait3A_97 = tpu.memref_slice %arg3[%dma_wait3A_95, %dma_wait3A_96] : memref<400000x128xf32, #tpu.memory_space<hbm>> -> memref<64x128xf32, #tpu.memory_space<hbm>>
        tpu.wait_dma2 semaphore(%arg35 : memref<!tpu.dma_semaphore, #tpu.memory_space<semaphore_mem>>) src(%dma_wait3A_97 : memref<64x128xf32, #tpu.memory_space<hbm>>) dst(%arg13 : memref<64x128xf32, #tpu.memory_space<vmem>>)
        %scan3A_98 = arith.constant 0 : i32
        %scan3A_99 = arith.constant 32 : i32
        %scan3A_100 = arith.addi %scan3A_98, %scan3A_99 : i32
        %scan3A_101 = arith.constant 1 : i32
        scf.for %scan3A_103 = %scan3A_98 to %scan3A_100 step %scan3A_101  : i32 {
          %mul3A_104 = arith.constant 1 : i32
          %mul3A_105 = arith.muli %scan3A_103, %mul3A_104 : i32
          %add3A_106 = arith.constant 0 : i32
          %add3A_107 = arith.addi %add3A_106, %mul3A_105 : i32
          %mul3A_108 = arith.constant 16 : i32
          %mul3A_109 = arith.muli %add3A_107, %mul3A_108 : i32
          %get3A = arith.index_cast %mul3A_109 : i32 to index
          %get3A_110 = tpu.vector_load %arg11[%get3A] {strides = array<i32>} : memref<512xi32, #tpu.memory_space<vmem>>, vector<16xi32>,
          %shift_right_logical3A = arith.constant 2 : i32
          %shift_right_logical3A_111 = vector.broadcast %shift_right_logical3A : i32 to vector<16xi32>
          %shift_right_logical3A_112 = arith.shrui %get3A_110, %shift_right_logical3A_111 : vector<16xi32>
          %gather3A = tpu.vector_load_idx %arg10[%shift_right_logical3A_112] : memref<25000xi32, #tpu.memory_space<vmem>>[vector<16xi32>], vector<16xi32>,
          %and3A = arith.constant 3 : i32
          %and3A_113 = vector.broadcast %and3A : i32 to vector<16xi32>
          %and3A_114 = arith.andi %get3A_110, %and3A_113 : vector<16xi32>
          %shift_left3A = arith.constant 3 : i32
          %shift_left3A_115 = vector.broadcast %shift_left3A : i32 to vector<16xi32>
          %shift_left3A_116 = arith.shli %and3A_114, %shift_left3A_115 : vector<16xi32>
          %shift_right_logical3A_117 = arith.shrui %gather3A, %shift_left3A_116 : vector<16xi32>
          %and3A_118 = arith.constant 255 : i32
          %and3A_119 = vector.broadcast %and3A_118 : i32 to vector<16xi32>
          %and3A_120 = arith.andi %shift_right_logical3A_117, %and3A_119 : vector<16xi32>
          tpu.vector_store_idx %arg17[%and3A_120], %broadcast_in_dim3A_7 {add = true} : memref<256xf32, #tpu.memory_space<vmem>>[vector<16xi32>], vector<16xf32>,
          %shift_left3A_121 = arith.constant 4 : i32
          %shift_left3A_122 = vector.broadcast %shift_left3A_121 : i32 to vector<16xi32>
          %shift_left3A_123 = arith.shli %and3A_120, %shift_left3A_122 : vector<16xi32>
          %slice3A = vector.extract_strided_slice %shift_left3A_123 {offsets = [0], sizes = [1], strides = [1]} : vector<16xi32> to vector<1xi32>
          %squeeze3A = vector.extract %slice3A[0] : i32 from vector<1xi32>
          %mul3A_124 = arith.constant 2 : i32
          %mul3A_125 = arith.muli %mul3A_124, %add3A_107 : i32
          %add3A_126 = arith.constant 0 : i32
          %add3A_127 = arith.addi %mul3A_125, %add3A_126 : i32
          %get3A_128 = arith.index_cast %add3A_127 : i32 to index
          %get3A_129 = arith.constant 0 : index
          %get3A_130 = tpu.vector_load %arg13[%get3A_128, %get3A_129] {strides = array<i32>} : memref<64x128xf32, #tpu.memory_space<vmem>>, vector<16xf32>,
          %swap3A = arith.index_cast %squeeze3A : i32 to index
          %swap3A_131 = tpu.vector_load %arg15[%swap3A] {strides = array<i32>} : memref<4096xf32, #tpu.memory_space<vmem>>, vector<16xf32>,
          tpu.vector_store %arg15[%swap3A], %get3A_130 {add = true, strides = array<i32>} : memref<4096xf32, #tpu.memory_space<vmem>>, vector<16xf32>,
          %mul3A_132 = arith.mulf %get3A_130, %get3A_130 : vector<16xf32>
          %swap3A_133 = arith.index_cast %squeeze3A : i32 to index
          %swap3A_134 = tpu.vector_load %arg16[%swap3A_133] {strides = array<i32>} : memref<4096xf32, #tpu.memory_space<vmem>>, vector<16xf32>,
          tpu.vector_store %arg16[%swap3A_133], %mul3A_132 {add = true, strides = array<i32>} : memref<4096xf32, #tpu.memory_space<vmem>>, vector<16xf32>,
          %get3A_135 = arith.index_cast %squeeze3A : i32 to index
          %get3A_136 = tpu.vector_load %arg18[%get3A_135] {strides = array<i32>} : memref<4096xf32, #tpu.memory_space<vmem>>, vector<16xf32>,
          %max3A = arith.maximumf %get3A_136, %get3A_130 : vector<16xf32>
          %swap3A_137 = arith.index_cast %squeeze3A : i32 to index
          %swap3A_138 = tpu.vector_load %arg18[%swap3A_137] {strides = array<i32>} : memref<4096xf32, #tpu.memory_space<vmem>>, vector<16xf32>,
          tpu.vector_store %arg18[%swap3A_137], %max3A {strides = array<i32>} : memref<4096xf32, #tpu.memory_space<vmem>>, vector<16xf32>,
          %get3A_139 = arith.index_cast %squeeze3A : i32 to index
          %get3A_140 = tpu.vector_load %arg26[%get3A_139] {strides = array<i32>} : memref<4096xf32, #tpu.memory_space<vmem>>, vector<16xf32>,
          %min3A = arith.minimumf %get3A_140, %get3A_130 : vector<16xf32>
          %swap3A_141 = arith.index_cast %squeeze3A : i32 to index
          %swap3A_142 = tpu.vector_load %arg26[%swap3A_141] {strides = array<i32>} : memref<4096xf32, #tpu.memory_space<vmem>>, vector<16xf32>,
          tpu.vector_store %arg26[%swap3A_141], %min3A {strides = array<i32>} : memref<4096xf32, #tpu.memory_space<vmem>>, vector<16xf32>,
          %slice3A_143 = vector.extract_strided_slice %shift_left3A_123 {offsets = [1], sizes = [1], strides = [1]} : vector<16xi32> to vector<1xi32>
          %squeeze3A_144 = vector.extract %slice3A_143[0] : i32 from vector<1xi32>
          %mul3A_145 = arith.constant 2 : i32
          %mul3A_146 = arith.muli %mul3A_145, %add3A_107 : i32
          %add3A_147 = arith.constant 0 : i32
          %add3A_148 = arith.addi %mul3A_146, %add3A_147 : i32
          %get3A_149 = arith.index_cast %add3A_148 : i32 to index
          %get3A_150 = arith.constant 16 : index
          %get3A_151 = tpu.vector_load %arg13[%get3A_149, %get3A_150] {strides = array<i32>} : memref<64x128xf32, #tpu.memory_space<vmem>>, vector<16xf32>,
          %swap3A_152 = arith.index_cast %squeeze3A_144 : i32 to index
          %swap3A_153 = tpu.vector_load %arg15[%swap3A_152] {strides = array<i32>} : memref<4096xf32, #tpu.memory_space<vmem>>, vector<16xf32>,
          tpu.vector_store %arg15[%swap3A_152], %get3A_151 {add = true, strides = array<i32>} : memref<4096xf32, #tpu.memory_space<vmem>>, vector<16xf32>,
          %mul3A_154 = arith.mulf %get3A_151, %get3A_151 : vector<16xf32>
          %swap3A_155 = arith.index_cast %squeeze3A_144 : i32 to index
          %swap3A_156 = tpu.vector_load %arg16[%swap3A_155] {strides = array<i32>} : memref<4096xf32, #tpu.memory_space<vmem>>, vector<16xf32>,
          tpu.vector_store %arg16[%swap3A_155], %mul3A_154 {add = true, strides = array<i32>} : memref<4096xf32, #tpu.memory_space<vmem>>, vector<16xf32>,
          %get3A_157 = arith.index_cast %squeeze3A_144 : i32 to index
          %get3A_158 = tpu.vector_load %arg19[%get3A_157] {strides = array<i32>} : memref<4096xf32, #tpu.memory_space<vmem>>, vector<16xf32>,
          %max3A_159 = arith.maximumf %get3A_158, %get3A_151 : vector<16xf32>
          %swap3A_160 = arith.index_cast %squeeze3A_144 : i32 to index
          %swap3A_161 = tpu.vector_load %arg19[%swap3A_160] {strides = array<i32>} : memref<4096xf32, #tpu.memory_space<vmem>>, vector<16xf32>,
          tpu.vector_store %arg19[%swap3A_160], %max3A_159 {strides = array<i32>} : memref<4096xf32, #tpu.memory_space<vmem>>, vector<16xf32>,
          %get3A_162 = arith.index_cast %squeeze3A_144 : i32 to index
          %get3A_163 = tpu.vector_load %arg27[%get3A_162] {strides = array<i32>} : memref<4096xf32, #tpu.memory_space<vmem>>, vector<16xf32>,
          %min3A_164 = arith.minimumf %get3A_163, %get3A_151 : vector<16xf32>
          %swap3A_165 = arith.index_cast %squeeze3A_144 : i32 to index
          %swap3A_166 = tpu.vector_load %arg27[%swap3A_165] {strides = array<i32>} : memref<4096xf32, #tpu.memory_space<vmem>>, vector<16xf32>,
          tpu.vector_store %arg27[%swap3A_165], %min3A_164 {strides = array<i32>} : memref<4096xf32, #tpu.memory_space<vmem>>, vector<16xf32>,
          %slice3A_167 = vector.extract_strided_slice %shift_left3A_123 {offsets = [2], sizes = [1], strides = [1]} : vector<16xi32> to vector<1xi32>
          %squeeze3A_168 = vector.extract %slice3A_167[0] : i32 from vector<1xi32>
          %mul3A_169 = arith.constant 2 : i32
          %mul3A_170 = arith.muli %mul3A_169, %add3A_107 : i32
          %add3A_171 = arith.constant 0 : i32
          %add3A_172 = arith.addi %mul3A_170, %add3A_171 : i32
          %get3A_173 = arith.index_cast %add3A_172 : i32 to index
          %get3A_174 = arith.constant 32 : index
          %get3A_175 = tpu.vector_load %arg13[%get3A_173, %get3A_174] {strides = array<i32>} : memref<64x128xf32, #tpu.memory_space<vmem>>, vector<16xf32>,
          %swap3A_176 = arith.index_cast %squeeze3A_168 : i32 to index
          %swap3A_177 = tpu.vector_load %arg15[%swap3A_176] {strides = array<i32>} : memref<4096xf32, #tpu.memory_space<vmem>>, vector<16xf32>,
          tpu.vector_store %arg15[%swap3A_176], %get3A_175 {add = true, strides = array<i32>} : memref<4096xf32, #tpu.memory_space<vmem>>, vector<16xf32>,
          %mul3A_178 = arith.mulf %get3A_175, %get3A_175 : vector<16xf32>
          %swap3A_179 = arith.index_cast %squeeze3A_168 : i32 to index
          %swap3A_180 = tpu.vector_load %arg16[%swap3A_179] {strides = array<i32>} : memref<4096xf32, #tpu.memory_space<vmem>>, vector<16xf32>,
          tpu.vector_store %arg16[%swap3A_179], %mul3A_178 {add = true, strides = array<i32>} : memref<4096xf32, #tpu.memory_space<vmem>>, vector<16xf32>,
          %get3A_181 = arith.index_cast %squeeze3A_168 : i32 to index
          %get3A_182 = tpu.vector_load %arg20[%get3A_181] {strides = array<i32>} : memref<4096xf32, #tpu.memory_space<vmem>>, vector<16xf32>,
          %max3A_183 = arith.maximumf %get3A_182, %get3A_175 : vector<16xf32>
          %swap3A_184 = arith.index_cast %squeeze3A_168 : i32 to index
          %swap3A_185 = tpu.vector_load %arg20[%swap3A_184] {strides = array<i32>} : memref<4096xf32, #tpu.memory_space<vmem>>, vector<16xf32>,
          tpu.vector_store %arg20[%swap3A_184], %max3A_183 {strides = array<i32>} : memref<4096xf32, #tpu.memory_space<vmem>>, vector<16xf32>,
          %get3A_186 = arith.index_cast %squeeze3A_168 : i32 to index
          %get3A_187 = tpu.vector_load %arg28[%get3A_186] {strides = array<i32>} : memref<4096xf32, #tpu.memory_space<vmem>>, vector<16xf32>,
          %min3A_188 = arith.minimumf %get3A_187, %get3A_175 : vector<16xf32>
          %swap3A_189 = arith.index_cast %squeeze3A_168 : i32 to index
          %swap3A_190 = tpu.vector_load %arg28[%swap3A_189] {strides = array<i32>} : memref<4096xf32, #tpu.memory_space<vmem>>, vector<16xf32>,
          tpu.vector_store %arg28[%swap3A_189], %min3A_188 {strides = array<i32>} : memref<4096xf32, #tpu.memory_space<vmem>>, vector<16xf32>,
          %slice3A_191 = vector.extract_strided_slice %shift_left3A_123 {offsets = [3], sizes = [1], strides = [1]} : vector<16xi32> to vector<1xi32>
          %squeeze3A_192 = vector.extract %slice3A_191[0] : i32 from vector<1xi32>
          %mul3A_193 = arith.constant 2 : i32
          %mul3A_194 = arith.muli %mul3A_193, %add3A_107 : i32
          %add3A_195 = arith.constant 0 : i32
          %add3A_196 = arith.addi %mul3A_194, %add3A_195 : i32
          %get3A_197 = arith.index_cast %add3A_196 : i32 to index
          %get3A_198 = arith.constant 48 : index
          %get3A_199 = tpu.vector_load %arg13[%get3A_197, %get3A_198] {strides = array<i32>} : memref<64x128xf32, #tpu.memory_space<vmem>>, vector<16xf32>,
          %swap3A_200 = arith.index_cast %squeeze3A_192 : i32 to index
          %swap3A_201 = tpu.vector_load %arg15[%swap3A_200] {strides = array<i32>} : memref<4096xf32, #tpu.memory_space<vmem>>, vector<16xf32>,
          tpu.vector_store %arg15[%swap3A_200], %get3A_199 {add = true, strides = array<i32>} : memref<4096xf32, #tpu.memory_space<vmem>>, vector<16xf32>,
          %mul3A_202 = arith.mulf %get3A_199, %get3A_199 : vector<16xf32>
          %swap3A_203 = arith.index_cast %squeeze3A_192 : i32 to index
          %swap3A_204 = tpu.vector_load %arg16[%swap3A_203] {strides = array<i32>} : memref<4096xf32, #tpu.memory_space<vmem>>, vector<16xf32>,
          tpu.vector_store %arg16[%swap3A_203], %mul3A_202 {add = true, strides = array<i32>} : memref<4096xf32, #tpu.memory_space<vmem>>, vector<16xf32>,
          %get3A_205 = arith.index_cast %squeeze3A_192 : i32 to index
          %get3A_206 = tpu.vector_load %arg21[%get3A_205] {strides = array<i32>} : memref<4096xf32, #tpu.memory_space<vmem>>, vector<16xf32>,
          %max3A_207 = arith.maximumf %get3A_206, %get3A_199 : vector<16xf32>
          %swap3A_208 = arith.index_cast %squeeze3A_192 : i32 to index
          %swap3A_209 = tpu.vector_load %arg21[%swap3A_208] {strides = array<i32>} : memref<4096xf32, #tpu.memory_space<vmem>>, vector<16xf32>,
          tpu.vector_store %arg21[%swap3A_208], %max3A_207 {strides = array<i32>} : memref<4096xf32, #tpu.memory_space<vmem>>, vector<16xf32>,
          %get3A_210 = arith.index_cast %squeeze3A_192 : i32 to index
          %get3A_211 = tpu.vector_load %arg29[%get3A_210] {strides = array<i32>} : memref<4096xf32, #tpu.memory_space<vmem>>, vector<16xf32>,
          %min3A_212 = arith.minimumf %get3A_211, %get3A_199 : vector<16xf32>
          %swap3A_213 = arith.index_cast %squeeze3A_192 : i32 to index
          %swap3A_214 = tpu.vector_load %arg29[%swap3A_213] {strides = array<i32>} : memref<4096xf32, #tpu.memory_space<vmem>>, vector<16xf32>,
          tpu.vector_store %arg29[%swap3A_213], %min3A_212 {strides = array<i32>} : memref<4096xf32, #tpu.memory_space<vmem>>, vector<16xf32>,
          %slice3A_215 = vector.extract_strided_slice %shift_left3A_123 {offsets = [4], sizes = [1], strides = [1]} : vector<16xi32> to vector<1xi32>
          %squeeze3A_216 = vector.extract %slice3A_215[0] : i32 from vector<1xi32>
          %mul3A_217 = arith.constant 2 : i32
          %mul3A_218 = arith.muli %mul3A_217, %add3A_107 : i32
          %add3A_219 = arith.constant 0 : i32
          %add3A_220 = arith.addi %mul3A_218, %add3A_219 : i32
          %get3A_221 = arith.index_cast %add3A_220 : i32 to index
          %get3A_222 = arith.constant 64 : index
          %get3A_223 = tpu.vector_load %arg13[%get3A_221, %get3A_222] {strides = array<i32>} : memref<64x128xf32, #tpu.memory_space<vmem>>, vector<16xf32>,
          %swap3A_224 = arith.index_cast %squeeze3A_216 : i32 to index
          %swap3A_225 = tpu.vector_load %arg15[%swap3A_224] {strides = array<i32>} : memref<4096xf32, #tpu.memory_space<vmem>>, vector<16xf32>,
          tpu.vector_store %arg15[%swap3A_224], %get3A_223 {add = true, strides = array<i32>} : memref<4096xf32, #tpu.memory_space<vmem>>, vector<16xf32>,
          %mul3A_226 = arith.mulf %get3A_223, %get3A_223 : vector<16xf32>
          %swap3A_227 = arith.index_cast %squeeze3A_216 : i32 to index
          %swap3A_228 = tpu.vector_load %arg16[%swap3A_227] {strides = array<i32>} : memref<4096xf32, #tpu.memory_space<vmem>>, vector<16xf32>,
          tpu.vector_store %arg16[%swap3A_227], %mul3A_226 {add = true, strides = array<i32>} : memref<4096xf32, #tpu.memory_space<vmem>>, vector<16xf32>,
          %get3A_229 = arith.index_cast %squeeze3A_216 : i32 to index
          %get3A_230 = tpu.vector_load %arg22[%get3A_229] {strides = array<i32>} : memref<4096xf32, #tpu.memory_space<vmem>>, vector<16xf32>,
          %max3A_231 = arith.maximumf %get3A_230, %get3A_223 : vector<16xf32>
          %swap3A_232 = arith.index_cast %squeeze3A_216 : i32 to index
          %swap3A_233 = tpu.vector_load %arg22[%swap3A_232] {strides = array<i32>} : memref<4096xf32, #tpu.memory_space<vmem>>, vector<16xf32>,
          tpu.vector_store %arg22[%swap3A_232], %max3A_231 {strides = array<i32>} : memref<4096xf32, #tpu.memory_space<vmem>>, vector<16xf32>,
          %get3A_234 = arith.index_cast %squeeze3A_216 : i32 to index
          %get3A_235 = tpu.vector_load %arg30[%get3A_234] {strides = array<i32>} : memref<4096xf32, #tpu.memory_space<vmem>>, vector<16xf32>,
          %min3A_236 = arith.minimumf %get3A_235, %get3A_223 : vector<16xf32>
          %swap3A_237 = arith.index_cast %squeeze3A_216 : i32 to index
          %swap3A_238 = tpu.vector_load %arg30[%swap3A_237] {strides = array<i32>} : memref<4096xf32, #tpu.memory_space<vmem>>, vector<16xf32>,
          tpu.vector_store %arg30[%swap3A_237], %min3A_236 {strides = array<i32>} : memref<4096xf32, #tpu.memory_space<vmem>>, vector<16xf32>,
          %slice3A_239 = vector.extract_strided_slice %shift_left3A_123 {offsets = [5], sizes = [1], strides = [1]} : vector<16xi32> to vector<1xi32>
          %squeeze3A_240 = vector.extract %slice3A_239[0] : i32 from vector<1xi32>
          %mul3A_241 = arith.constant 2 : i32
          %mul3A_242 = arith.muli %mul3A_241, %add3A_107 : i32
          %add3A_243 = arith.constant 0 : i32
          %add3A_244 = arith.addi %mul3A_242, %add3A_243 : i32
          %get3A_245 = arith.index_cast %add3A_244 : i32 to index
          %get3A_246 = arith.constant 80 : index
          %get3A_247 = tpu.vector_load %arg13[%get3A_245, %get3A_246] {strides = array<i32>} : memref<64x128xf32, #tpu.memory_space<vmem>>, vector<16xf32>,
          %swap3A_248 = arith.index_cast %squeeze3A_240 : i32 to index
          %swap3A_249 = tpu.vector_load %arg15[%swap3A_248] {strides = array<i32>} : memref<4096xf32, #tpu.memory_space<vmem>>, vector<16xf32>,
          tpu.vector_store %arg15[%swap3A_248], %get3A_247 {add = true, strides = array<i32>} : memref<4096xf32, #tpu.memory_space<vmem>>, vector<16xf32>,
          %mul3A_250 = arith.mulf %get3A_247, %get3A_247 : vector<16xf32>
          %swap3A_251 = arith.index_cast %squeeze3A_240 : i32 to index
          %swap3A_252 = tpu.vector_load %arg16[%swap3A_251] {strides = array<i32>} : memref<4096xf32, #tpu.memory_space<vmem>>, vector<16xf32>,
          tpu.vector_store %arg16[%swap3A_251], %mul3A_250 {add = true, strides = array<i32>} : memref<4096xf32, #tpu.memory_space<vmem>>, vector<16xf32>,
          %get3A_253 = arith.index_cast %squeeze3A_240 : i32 to index
          %get3A_254 = tpu.vector_load %arg23[%get3A_253] {strides = array<i32>} : memref<4096xf32, #tpu.memory_space<vmem>>, vector<16xf32>,
          %max3A_255 = arith.maximumf %get3A_254, %get3A_247 : vector<16xf32>
          %swap3A_256 = arith.index_cast %squeeze3A_240 : i32 to index
          %swap3A_257 = tpu.vector_load %arg23[%swap3A_256] {strides = array<i32>} : memref<4096xf32, #tpu.memory_space<vmem>>, vector<16xf32>,
          tpu.vector_store %arg23[%swap3A_256], %max3A_255 {strides = array<i32>} : memref<4096xf32, #tpu.memory_space<vmem>>, vector<16xf32>,
          %get3A_258 = arith.index_cast %squeeze3A_240 : i32 to index
          %get3A_259 = tpu.vector_load %arg31[%get3A_258] {strides = array<i32>} : memref<4096xf32, #tpu.memory_space<vmem>>, vector<16xf32>,
          %min3A_260 = arith.minimumf %get3A_259, %get3A_247 : vector<16xf32>
          %swap3A_261 = arith.index_cast %squeeze3A_240 : i32 to index
          %swap3A_262 = tpu.vector_load %arg31[%swap3A_261] {strides = array<i32>} : memref<4096xf32, #tpu.memory_space<vmem>>, vector<16xf32>,
          tpu.vector_store %arg31[%swap3A_261], %min3A_260 {strides = array<i32>} : memref<4096xf32, #tpu.memory_space<vmem>>, vector<16xf32>,
          %slice3A_263 = vector.extract_strided_slice %shift_left3A_123 {offsets = [6], sizes = [1], strides = [1]} : vector<16xi32> to vector<1xi32>
          %squeeze3A_264 = vector.extract %slice3A_263[0] : i32 from vector<1xi32>
          %mul3A_265 = arith.constant 2 : i32
          %mul3A_266 = arith.muli %mul3A_265, %add3A_107 : i32
          %add3A_267 = arith.constant 0 : i32
          %add3A_268 = arith.addi %mul3A_266, %add3A_267 : i32
          %get3A_269 = arith.index_cast %add3A_268 : i32 to index
          %get3A_270 = arith.constant 96 : index
          %get3A_271 = tpu.vector_load %arg13[%get3A_269, %get3A_270] {strides = array<i32>} : memref<64x128xf32, #tpu.memory_space<vmem>>, vector<16xf32>,
          %swap3A_272 = arith.index_cast %squeeze3A_264 : i32 to index
          %swap3A_273 = tpu.vector_load %arg15[%swap3A_272] {strides = array<i32>} : memref<4096xf32, #tpu.memory_space<vmem>>, vector<16xf32>,
          tpu.vector_store %arg15[%swap3A_272], %get3A_271 {add = true, strides = array<i32>} : memref<4096xf32, #tpu.memory_space<vmem>>, vector<16xf32>,
          %mul3A_274 = arith.mulf %get3A_271, %get3A_271 : vector<16xf32>
          %swap3A_275 = arith.index_cast %squeeze3A_264 : i32 to index
          %swap3A_276 = tpu.vector_load %arg16[%swap3A_275] {strides = array<i32>} : memref<4096xf32, #tpu.memory_space<vmem>>, vector<16xf32>,
          tpu.vector_store %arg16[%swap3A_275], %mul3A_274 {add = true, strides = array<i32>} : memref<4096xf32, #tpu.memory_space<vmem>>, vector<16xf32>,
          %get3A_277 = arith.index_cast %squeeze3A_264 : i32 to index
          %get3A_278 = tpu.vector_load %arg24[%get3A_277] {strides = array<i32>} : memref<4096xf32, #tpu.memory_space<vmem>>, vector<16xf32>,
          %max3A_279 = arith.maximumf %get3A_278, %get3A_271 : vector<16xf32>
          %swap3A_280 = arith.index_cast %squeeze3A_264 : i32 to index
          %swap3A_281 = tpu.vector_load %arg24[%swap3A_280] {strides = array<i32>} : memref<4096xf32, #tpu.memory_space<vmem>>, vector<16xf32>,
          tpu.vector_store %arg24[%swap3A_280], %max3A_279 {strides = array<i32>} : memref<4096xf32, #tpu.memory_space<vmem>>, vector<16xf32>,
          %get3A_282 = arith.index_cast %squeeze3A_264 : i32 to index
          %get3A_283 = tpu.vector_load %arg32[%get3A_282] {strides = array<i32>} : memref<4096xf32, #tpu.memory_space<vmem>>, vector<16xf32>,
          %min3A_284 = arith.minimumf %get3A_283, %get3A_271 : vector<16xf32>
          %swap3A_285 = arith.index_cast %squeeze3A_264 : i32 to index
          %swap3A_286 = tpu.vector_load %arg32[%swap3A_285] {strides = array<i32>} : memref<4096xf32, #tpu.memory_space<vmem>>, vector<16xf32>,
          tpu.vector_store %arg32[%swap3A_285], %min3A_284 {strides = array<i32>} : memref<4096xf32, #tpu.memory_space<vmem>>, vector<16xf32>,
          %slice3A_287 = vector.extract_strided_slice %shift_left3A_123 {offsets = [7], sizes = [1], strides = [1]} : vector<16xi32> to vector<1xi32>
          %squeeze3A_288 = vector.extract %slice3A_287[0] : i32 from vector<1xi32>
          %mul3A_289 = arith.constant 2 : i32
          %mul3A_290 = arith.muli %mul3A_289, %add3A_107 : i32
          %add3A_291 = arith.constant 0 : i32
          %add3A_292 = arith.addi %mul3A_290, %add3A_291 : i32
          %get3A_293 = arith.index_cast %add3A_292 : i32 to index
          %get3A_294 = arith.constant 112 : index
          %get3A_295 = tpu.vector_load %arg13[%get3A_293, %get3A_294] {strides = array<i32>} : memref<64x128xf32, #tpu.memory_space<vmem>>, vector<16xf32>,
          %swap3A_296 = arith.index_cast %squeeze3A_288 : i32 to index
          %swap3A_297 = tpu.vector_load %arg15[%swap3A_296] {strides = array<i32>} : memref<4096xf32, #tpu.memory_space<vmem>>, vector<16xf32>,
          tpu.vector_store %arg15[%swap3A_296], %get3A_295 {add = true, strides = array<i32>} : memref<4096xf32, #tpu.memory_space<vmem>>, vector<16xf32>,
          %mul3A_298 = arith.mulf %get3A_295, %get3A_295 : vector<16xf32>
          %swap3A_299 = arith.index_cast %squeeze3A_288 : i32 to index
          %swap3A_300 = tpu.vector_load %arg16[%swap3A_299] {strides = array<i32>} : memref<4096xf32, #tpu.memory_space<vmem>>, vector<16xf32>,
          tpu.vector_store %arg16[%swap3A_299], %mul3A_298 {add = true, strides = array<i32>} : memref<4096xf32, #tpu.memory_space<vmem>>, vector<16xf32>,
          %get3A_301 = arith.index_cast %squeeze3A_288 : i32 to index
          %get3A_302 = tpu.vector_load %arg25[%get3A_301] {strides = array<i32>} : memref<4096xf32, #tpu.memory_space<vmem>>, vector<16xf32>,
          %max3A_303 = arith.maximumf %get3A_302, %get3A_295 : vector<16xf32>
          %swap3A_304 = arith.index_cast %squeeze3A_288 : i32 to index
          %swap3A_305 = tpu.vector_load %arg25[%swap3A_304] {strides = array<i32>} : memref<4096xf32, #tpu.memory_space<vmem>>, vector<16xf32>,
          tpu.vector_store %arg25[%swap3A_304], %max3A_303 {strides = array<i32>} : memref<4096xf32, #tpu.memory_space<vmem>>, vector<16xf32>,
          %get3A_306 = arith.index_cast %squeeze3A_288 : i32 to index
          %get3A_307 = tpu.vector_load %arg33[%get3A_306] {strides = array<i32>} : memref<4096xf32, #tpu.memory_space<vmem>>, vector<16xf32>,
          %min3A_308 = arith.minimumf %get3A_307, %get3A_295 : vector<16xf32>
          %swap3A_309 = arith.index_cast %squeeze3A_288 : i32 to index
          %swap3A_310 = tpu.vector_load %arg33[%swap3A_309] {strides = array<i32>} : memref<4096xf32, #tpu.memory_space<vmem>>, vector<16xf32>,
          tpu.vector_store %arg33[%swap3A_309], %min3A_308 {strides = array<i32>} : memref<4096xf32, #tpu.memory_space<vmem>>, vector<16xf32>,
          %slice3A_311 = vector.extract_strided_slice %shift_left3A_123 {offsets = [8], sizes = [1], strides = [1]} : vector<16xi32> to vector<1xi32>
          %squeeze3A_312 = vector.extract %slice3A_311[0] : i32 from vector<1xi32>
          %mul3A_313 = arith.constant 2 : i32
          %mul3A_314 = arith.muli %mul3A_313, %add3A_107 : i32
          %add3A_315 = arith.constant 1 : i32
          %add3A_316 = arith.addi %mul3A_314, %add3A_315 : i32
          %get3A_317 = arith.index_cast %add3A_316 : i32 to index
          %get3A_318 = arith.constant 0 : index
          %get3A_319 = tpu.vector_load %arg13[%get3A_317, %get3A_318] {strides = array<i32>} : memref<64x128xf32, #tpu.memory_space<vmem>>, vector<16xf32>,
          %swap3A_320 = arith.index_cast %squeeze3A_312 : i32 to index
          %swap3A_321 = tpu.vector_load %arg15[%swap3A_320] {strides = array<i32>} : memref<4096xf32, #tpu.memory_space<vmem>>, vector<16xf32>,
          tpu.vector_store %arg15[%swap3A_320], %get3A_319 {add = true, strides = array<i32>} : memref<4096xf32, #tpu.memory_space<vmem>>, vector<16xf32>,
          %mul3A_322 = arith.mulf %get3A_319, %get3A_319 : vector<16xf32>
          %swap3A_323 = arith.index_cast %squeeze3A_312 : i32 to index
          %swap3A_324 = tpu.vector_load %arg16[%swap3A_323] {strides = array<i32>} : memref<4096xf32, #tpu.memory_space<vmem>>, vector<16xf32>,
          tpu.vector_store %arg16[%swap3A_323], %mul3A_322 {add = true, strides = array<i32>} : memref<4096xf32, #tpu.memory_space<vmem>>, vector<16xf32>,
          %get3A_325 = arith.index_cast %squeeze3A_312 : i32 to index
          %get3A_326 = tpu.vector_load %arg18[%get3A_325] {strides = array<i32>} : memref<4096xf32, #tpu.memory_space<vmem>>, vector<16xf32>,
          %max3A_327 = arith.maximumf %get3A_326, %get3A_319 : vector<16xf32>
          %swap3A_328 = arith.index_cast %squeeze3A_312 : i32 to index
          %swap3A_329 = tpu.vector_load %arg18[%swap3A_328] {strides = array<i32>} : memref<4096xf32, #tpu.memory_space<vmem>>, vector<16xf32>,
          tpu.vector_store %arg18[%swap3A_328], %max3A_327 {strides = array<i32>} : memref<4096xf32, #tpu.memory_space<vmem>>, vector<16xf32>,
          %get3A_330 = arith.index_cast %squeeze3A_312 : i32 to index
          %get3A_331 = tpu.vector_load %arg26[%get3A_330] {strides = array<i32>} : memref<4096xf32, #tpu.memory_space<vmem>>, vector<16xf32>,
          %min3A_332 = arith.minimumf %get3A_331, %get3A_319 : vector<16xf32>
          %swap3A_333 = arith.index_cast %squeeze3A_312 : i32 to index
          %swap3A_334 = tpu.vector_load %arg26[%swap3A_333] {strides = array<i32>} : memref<4096xf32, #tpu.memory_space<vmem>>, vector<16xf32>,
          tpu.vector_store %arg26[%swap3A_333], %min3A_332 {strides = array<i32>} : memref<4096xf32, #tpu.memory_space<vmem>>, vector<16xf32>,
          %slice3A_335 = vector.extract_strided_slice %shift_left3A_123 {offsets = [9], sizes = [1], strides = [1]} : vector<16xi32> to vector<1xi32>
          %squeeze3A_336 = vector.extract %slice3A_335[0] : i32 from vector<1xi32>
          %mul3A_337 = arith.constant 2 : i32
          %mul3A_338 = arith.muli %mul3A_337, %add3A_107 : i32
          %add3A_339 = arith.constant 1 : i32
          %add3A_340 = arith.addi %mul3A_338, %add3A_339 : i32
          %get3A_341 = arith.index_cast %add3A_340 : i32 to index
          %get3A_342 = arith.constant 16 : index
          %get3A_343 = tpu.vector_load %arg13[%get3A_341, %get3A_342] {strides = array<i32>} : memref<64x128xf32, #tpu.memory_space<vmem>>, vector<16xf32>,
          %swap3A_344 = arith.index_cast %squeeze3A_336 : i32 to index
          %swap3A_345 = tpu.vector_load %arg15[%swap3A_344] {strides = array<i32>} : memref<4096xf32, #tpu.memory_space<vmem>>, vector<16xf32>,
          tpu.vector_store %arg15[%swap3A_344], %get3A_343 {add = true, strides = array<i32>} : memref<4096xf32, #tpu.memory_space<vmem>>, vector<16xf32>,
          %mul3A_346 = arith.mulf %get3A_343, %get3A_343 : vector<16xf32>
          %swap3A_347 = arith.index_cast %squeeze3A_336 : i32 to index
          %swap3A_348 = tpu.vector_load %arg16[%swap3A_347] {strides = array<i32>} : memref<4096xf32, #tpu.memory_space<vmem>>, vector<16xf32>,
          tpu.vector_store %arg16[%swap3A_347], %mul3A_346 {add = true, strides = array<i32>} : memref<4096xf32, #tpu.memory_space<vmem>>, vector<16xf32>,
          %get3A_349 = arith.index_cast %squeeze3A_336 : i32 to index
          %get3A_350 = tpu.vector_load %arg19[%get3A_349] {strides = array<i32>} : memref<4096xf32, #tpu.memory_space<vmem>>, vector<16xf32>,
          %max3A_351 = arith.maximumf %get3A_350, %get3A_343 : vector<16xf32>
          %swap3A_352 = arith.index_cast %squeeze3A_336 : i32 to index
          %swap3A_353 = tpu.vector_load %arg19[%swap3A_352] {strides = array<i32>} : memref<4096xf32, #tpu.memory_space<vmem>>, vector<16xf32>,
          tpu.vector_store %arg19[%swap3A_352], %max3A_351 {strides = array<i32>} : memref<4096xf32, #tpu.memory_space<vmem>>, vector<16xf32>,
          %get3A_354 = arith.index_cast %squeeze3A_336 : i32 to index
          %get3A_355 = tpu.vector_load %arg27[%get3A_354] {strides = array<i32>} : memref<4096xf32, #tpu.memory_space<vmem>>, vector<16xf32>,
          %min3A_356 = arith.minimumf %get3A_355, %get3A_343 : vector<16xf32>
          %swap3A_357 = arith.index_cast %squeeze3A_336 : i32 to index
          %swap3A_358 = tpu.vector_load %arg27[%swap3A_357] {strides = array<i32>} : memref<4096xf32, #tpu.memory_space<vmem>>, vector<16xf32>,
          tpu.vector_store %arg27[%swap3A_357], %min3A_356 {strides = array<i32>} : memref<4096xf32, #tpu.memory_space<vmem>>, vector<16xf32>,
          %slice3A_359 = vector.extract_strided_slice %shift_left3A_123 {offsets = [10], sizes = [1], strides = [1]} : vector<16xi32> to vector<1xi32>
          %squeeze3A_360 = vector.extract %slice3A_359[0] : i32 from vector<1xi32>
          %mul3A_361 = arith.constant 2 : i32
          %mul3A_362 = arith.muli %mul3A_361, %add3A_107 : i32
          %add3A_363 = arith.constant 1 : i32
          %add3A_364 = arith.addi %mul3A_362, %add3A_363 : i32
          %get3A_365 = arith.index_cast %add3A_364 : i32 to index
          %get3A_366 = arith.constant 32 : index
          %get3A_367 = tpu.vector_load %arg13[%get3A_365, %get3A_366] {strides = array<i32>} : memref<64x128xf32, #tpu.memory_space<vmem>>, vector<16xf32>,
          %swap3A_368 = arith.index_cast %squeeze3A_360 : i32 to index
          %swap3A_369 = tpu.vector_load %arg15[%swap3A_368] {strides = array<i32>} : memref<4096xf32, #tpu.memory_space<vmem>>, vector<16xf32>,
          tpu.vector_store %arg15[%swap3A_368], %get3A_367 {add = true, strides = array<i32>} : memref<4096xf32, #tpu.memory_space<vmem>>, vector<16xf32>,
          %mul3A_370 = arith.mulf %get3A_367, %get3A_367 : vector<16xf32>
          %swap3A_371 = arith.index_cast %squeeze3A_360 : i32 to index
          %swap3A_372 = tpu.vector_load %arg16[%swap3A_371] {strides = array<i32>} : memref<4096xf32, #tpu.memory_space<vmem>>, vector<16xf32>,
          tpu.vector_store %arg16[%swap3A_371], %mul3A_370 {add = true, strides = array<i32>} : memref<4096xf32, #tpu.memory_space<vmem>>, vector<16xf32>,
          %get3A_373 = arith.index_cast %squeeze3A_360 : i32 to index
          %get3A_374 = tpu.vector_load %arg20[%get3A_373] {strides = array<i32>} : memref<4096xf32, #tpu.memory_space<vmem>>, vector<16xf32>,
          %max3A_375 = arith.maximumf %get3A_374, %get3A_367 : vector<16xf32>
          %swap3A_376 = arith.index_cast %squeeze3A_360 : i32 to index
          %swap3A_377 = tpu.vector_load %arg20[%swap3A_376] {strides = array<i32>} : memref<4096xf32, #tpu.memory_space<vmem>>, vector<16xf32>,
          tpu.vector_store %arg20[%swap3A_376], %max3A_375 {strides = array<i32>} : memref<4096xf32, #tpu.memory_space<vmem>>, vector<16xf32>,
          %get3A_378 = arith.index_cast %squeeze3A_360 : i32 to index
          %get3A_379 = tpu.vector_load %arg28[%get3A_378] {strides = array<i32>} : memref<4096xf32, #tpu.memory_space<vmem>>, vector<16xf32>,
          %min3A_380 = arith.minimumf %get3A_379, %get3A_367 : vector<16xf32>
          %swap3A_381 = arith.index_cast %squeeze3A_360 : i32 to index
          %swap3A_382 = tpu.vector_load %arg28[%swap3A_381] {strides = array<i32>} : memref<4096xf32, #tpu.memory_space<vmem>>, vector<16xf32>,
          tpu.vector_store %arg28[%swap3A_381], %min3A_380 {strides = array<i32>} : memref<4096xf32, #tpu.memory_space<vmem>>, vector<16xf32>,
          %slice3A_383 = vector.extract_strided_slice %shift_left3A_123 {offsets = [11], sizes = [1], strides = [1]} : vector<16xi32> to vector<1xi32>
          %squeeze3A_384 = vector.extract %slice3A_383[0] : i32 from vector<1xi32>
          %mul3A_385 = arith.constant 2 : i32
          %mul3A_386 = arith.muli %mul3A_385, %add3A_107 : i32
          %add3A_387 = arith.constant 1 : i32
          %add3A_388 = arith.addi %mul3A_386, %add3A_387 : i32
          %get3A_389 = arith.index_cast %add3A_388 : i32 to index
          %get3A_390 = arith.constant 48 : index
          %get3A_391 = tpu.vector_load %arg13[%get3A_389, %get3A_390] {strides = array<i32>} : memref<64x128xf32, #tpu.memory_space<vmem>>, vector<16xf32>,
          %swap3A_392 = arith.index_cast %squeeze3A_384 : i32 to index
          %swap3A_393 = tpu.vector_load %arg15[%swap3A_392] {strides = array<i32>} : memref<4096xf32, #tpu.memory_space<vmem>>, vector<16xf32>,
          tpu.vector_store %arg15[%swap3A_392], %get3A_391 {add = true, strides = array<i32>} : memref<4096xf32, #tpu.memory_space<vmem>>, vector<16xf32>,
          %mul3A_394 = arith.mulf %get3A_391, %get3A_391 : vector<16xf32>
          %swap3A_395 = arith.index_cast %squeeze3A_384 : i32 to index
          %swap3A_396 = tpu.vector_load %arg16[%swap3A_395] {strides = array<i32>} : memref<4096xf32, #tpu.memory_space<vmem>>, vector<16xf32>,
          tpu.vector_store %arg16[%swap3A_395], %mul3A_394 {add = true, strides = array<i32>} : memref<4096xf32, #tpu.memory_space<vmem>>, vector<16xf32>,
          %get3A_397 = arith.index_cast %squeeze3A_384 : i32 to index
          %get3A_398 = tpu.vector_load %arg21[%get3A_397] {strides = array<i32>} : memref<4096xf32, #tpu.memory_space<vmem>>, vector<16xf32>,
          %max3A_399 = arith.maximumf %get3A_398, %get3A_391 : vector<16xf32>
          %swap3A_400 = arith.index_cast %squeeze3A_384 : i32 to index
          %swap3A_401 = tpu.vector_load %arg21[%swap3A_400] {strides = array<i32>} : memref<4096xf32, #tpu.memory_space<vmem>>, vector<16xf32>,
          tpu.vector_store %arg21[%swap3A_400], %max3A_399 {strides = array<i32>} : memref<4096xf32, #tpu.memory_space<vmem>>, vector<16xf32>,
          %get3A_402 = arith.index_cast %squeeze3A_384 : i32 to index
          %get3A_403 = tpu.vector_load %arg29[%get3A_402] {strides = array<i32>} : memref<4096xf32, #tpu.memory_space<vmem>>, vector<16xf32>,
          %min3A_404 = arith.minimumf %get3A_403, %get3A_391 : vector<16xf32>
          %swap3A_405 = arith.index_cast %squeeze3A_384 : i32 to index
          %swap3A_406 = tpu.vector_load %arg29[%swap3A_405] {strides = array<i32>} : memref<4096xf32, #tpu.memory_space<vmem>>, vector<16xf32>,
          tpu.vector_store %arg29[%swap3A_405], %min3A_404 {strides = array<i32>} : memref<4096xf32, #tpu.memory_space<vmem>>, vector<16xf32>,
          %slice3A_407 = vector.extract_strided_slice %shift_left3A_123 {offsets = [12], sizes = [1], strides = [1]} : vector<16xi32> to vector<1xi32>
          %squeeze3A_408 = vector.extract %slice3A_407[0] : i32 from vector<1xi32>
          %mul3A_409 = arith.constant 2 : i32
          %mul3A_410 = arith.muli %mul3A_409, %add3A_107 : i32
          %add3A_411 = arith.constant 1 : i32
          %add3A_412 = arith.addi %mul3A_410, %add3A_411 : i32
          %get3A_413 = arith.index_cast %add3A_412 : i32 to index
          %get3A_414 = arith.constant 64 : index
          %get3A_415 = tpu.vector_load %arg13[%get3A_413, %get3A_414] {strides = array<i32>} : memref<64x128xf32, #tpu.memory_space<vmem>>, vector<16xf32>,
          %swap3A_416 = arith.index_cast %squeeze3A_408 : i32 to index
          %swap3A_417 = tpu.vector_load %arg15[%swap3A_416] {strides = array<i32>} : memref<4096xf32, #tpu.memory_space<vmem>>, vector<16xf32>,
          tpu.vector_store %arg15[%swap3A_416], %get3A_415 {add = true, strides = array<i32>} : memref<4096xf32, #tpu.memory_space<vmem>>, vector<16xf32>,
          %mul3A_418 = arith.mulf %get3A_415, %get3A_415 : vector<16xf32>
          %swap3A_419 = arith.index_cast %squeeze3A_408 : i32 to index
          %swap3A_420 = tpu.vector_load %arg16[%swap3A_419] {strides = array<i32>} : memref<4096xf32, #tpu.memory_space<vmem>>, vector<16xf32>,
          tpu.vector_store %arg16[%swap3A_419], %mul3A_418 {add = true, strides = array<i32>} : memref<4096xf32, #tpu.memory_space<vmem>>, vector<16xf32>,
          %get3A_421 = arith.index_cast %squeeze3A_408 : i32 to index
          %get3A_422 = tpu.vector_load %arg22[%get3A_421] {strides = array<i32>} : memref<4096xf32, #tpu.memory_space<vmem>>, vector<16xf32>,
          %max3A_423 = arith.maximumf %get3A_422, %get3A_415 : vector<16xf32>
          %swap3A_424 = arith.index_cast %squeeze3A_408 : i32 to index
          %swap3A_425 = tpu.vector_load %arg22[%swap3A_424] {strides = array<i32>} : memref<4096xf32, #tpu.memory_space<vmem>>, vector<16xf32>,
          tpu.vector_store %arg22[%swap3A_424], %max3A_423 {strides = array<i32>} : memref<4096xf32, #tpu.memory_space<vmem>>, vector<16xf32>,
          %get3A_426 = arith.index_cast %squeeze3A_408 : i32 to index
          %get3A_427 = tpu.vector_load %arg30[%get3A_426] {strides = array<i32>} : memref<4096xf32, #tpu.memory_space<vmem>>, vector<16xf32>,
          %min3A_428 = arith.minimumf %get3A_427, %get3A_415 : vector<16xf32>
          %swap3A_429 = arith.index_cast %squeeze3A_408 : i32 to index
          %swap3A_430 = tpu.vector_load %arg30[%swap3A_429] {strides = array<i32>} : memref<4096xf32, #tpu.memory_space<vmem>>, vector<16xf32>,
          tpu.vector_store %arg30[%swap3A_429], %min3A_428 {strides = array<i32>} : memref<4096xf32, #tpu.memory_space<vmem>>, vector<16xf32>,
          %slice3A_431 = vector.extract_strided_slice %shift_left3A_123 {offsets = [13], sizes = [1], strides = [1]} : vector<16xi32> to vector<1xi32>
          %squeeze3A_432 = vector.extract %slice3A_431[0] : i32 from vector<1xi32>
          %mul3A_433 = arith.constant 2 : i32
          %mul3A_434 = arith.muli %mul3A_433, %add3A_107 : i32
          %add3A_435 = arith.constant 1 : i32
          %add3A_436 = arith.addi %mul3A_434, %add3A_435 : i32
          %get3A_437 = arith.index_cast %add3A_436 : i32 to index
          %get3A_438 = arith.constant 80 : index
          %get3A_439 = tpu.vector_load %arg13[%get3A_437, %get3A_438] {strides = array<i32>} : memref<64x128xf32, #tpu.memory_space<vmem>>, vector<16xf32>,
          %swap3A_440 = arith.index_cast %squeeze3A_432 : i32 to index
          %swap3A_441 = tpu.vector_load %arg15[%swap3A_440] {strides = array<i32>} : memref<4096xf32, #tpu.memory_space<vmem>>, vector<16xf32>,
          tpu.vector_store %arg15[%swap3A_440], %get3A_439 {add = true, strides = array<i32>} : memref<4096xf32, #tpu.memory_space<vmem>>, vector<16xf32>,
          %mul3A_442 = arith.mulf %get3A_439, %get3A_439 : vector<16xf32>
          %swap3A_443 = arith.index_cast %squeeze3A_432 : i32 to index
          %swap3A_444 = tpu.vector_load %arg16[%swap3A_443] {strides = array<i32>} : memref<4096xf32, #tpu.memory_space<vmem>>, vector<16xf32>,
          tpu.vector_store %arg16[%swap3A_443], %mul3A_442 {add = true, strides = array<i32>} : memref<4096xf32, #tpu.memory_space<vmem>>, vector<16xf32>,
          %get3A_445 = arith.index_cast %squeeze3A_432 : i32 to index
          %get3A_446 = tpu.vector_load %arg23[%get3A_445] {strides = array<i32>} : memref<4096xf32, #tpu.memory_space<vmem>>, vector<16xf32>,
          %max3A_447 = arith.maximumf %get3A_446, %get3A_439 : vector<16xf32>
          %swap3A_448 = arith.index_cast %squeeze3A_432 : i32 to index
          %swap3A_449 = tpu.vector_load %arg23[%swap3A_448] {strides = array<i32>} : memref<4096xf32, #tpu.memory_space<vmem>>, vector<16xf32>,
          tpu.vector_store %arg23[%swap3A_448], %max3A_447 {strides = array<i32>} : memref<4096xf32, #tpu.memory_space<vmem>>, vector<16xf32>,
          %get3A_450 = arith.index_cast %squeeze3A_432 : i32 to index
          %get3A_451 = tpu.vector_load %arg31[%get3A_450] {strides = array<i32>} : memref<4096xf32, #tpu.memory_space<vmem>>, vector<16xf32>,
          %min3A_452 = arith.minimumf %get3A_451, %get3A_439 : vector<16xf32>
          %swap3A_453 = arith.index_cast %squeeze3A_432 : i32 to index
          %swap3A_454 = tpu.vector_load %arg31[%swap3A_453] {strides = array<i32>} : memref<4096xf32, #tpu.memory_space<vmem>>, vector<16xf32>,
          tpu.vector_store %arg31[%swap3A_453], %min3A_452 {strides = array<i32>} : memref<4096xf32, #tpu.memory_space<vmem>>, vector<16xf32>,
          %slice3A_455 = vector.extract_strided_slice %shift_left3A_123 {offsets = [14], sizes = [1], strides = [1]} : vector<16xi32> to vector<1xi32>
          %squeeze3A_456 = vector.extract %slice3A_455[0] : i32 from vector<1xi32>
          %mul3A_457 = arith.constant 2 : i32
          %mul3A_458 = arith.muli %mul3A_457, %add3A_107 : i32
          %add3A_459 = arith.constant 1 : i32
          %add3A_460 = arith.addi %mul3A_458, %add3A_459 : i32
          %get3A_461 = arith.index_cast %add3A_460 : i32 to index
          %get3A_462 = arith.constant 96 : index
          %get3A_463 = tpu.vector_load %arg13[%get3A_461, %get3A_462] {strides = array<i32>} : memref<64x128xf32, #tpu.memory_space<vmem>>, vector<16xf32>,
          %swap3A_464 = arith.index_cast %squeeze3A_456 : i32 to index
          %swap3A_465 = tpu.vector_load %arg15[%swap3A_464] {strides = array<i32>} : memref<4096xf32, #tpu.memory_space<vmem>>, vector<16xf32>,
          tpu.vector_store %arg15[%swap3A_464], %get3A_463 {add = true, strides = array<i32>} : memref<4096xf32, #tpu.memory_space<vmem>>, vector<16xf32>,
          %mul3A_466 = arith.mulf %get3A_463, %get3A_463 : vector<16xf32>
          %swap3A_467 = arith.index_cast %squeeze3A_456 : i32 to index
          %swap3A_468 = tpu.vector_load %arg16[%swap3A_467] {strides = array<i32>} : memref<4096xf32, #tpu.memory_space<vmem>>, vector<16xf32>,
          tpu.vector_store %arg16[%swap3A_467], %mul3A_466 {add = true, strides = array<i32>} : memref<4096xf32, #tpu.memory_space<vmem>>, vector<16xf32>,
          %get3A_469 = arith.index_cast %squeeze3A_456 : i32 to index
          %get3A_470 = tpu.vector_load %arg24[%get3A_469] {strides = array<i32>} : memref<4096xf32, #tpu.memory_space<vmem>>, vector<16xf32>,
          %max3A_471 = arith.maximumf %get3A_470, %get3A_463 : vector<16xf32>
          %swap3A_472 = arith.index_cast %squeeze3A_456 : i32 to index
          %swap3A_473 = tpu.vector_load %arg24[%swap3A_472] {strides = array<i32>} : memref<4096xf32, #tpu.memory_space<vmem>>, vector<16xf32>,
          tpu.vector_store %arg24[%swap3A_472], %max3A_471 {strides = array<i32>} : memref<4096xf32, #tpu.memory_space<vmem>>, vector<16xf32>,
          %get3A_474 = arith.index_cast %squeeze3A_456 : i32 to index
          %get3A_475 = tpu.vector_load %arg32[%get3A_474] {strides = array<i32>} : memref<4096xf32, #tpu.memory_space<vmem>>, vector<16xf32>,
          %min3A_476 = arith.minimumf %get3A_475, %get3A_463 : vector<16xf32>
          %swap3A_477 = arith.index_cast %squeeze3A_456 : i32 to index
          %swap3A_478 = tpu.vector_load %arg32[%swap3A_477] {strides = array<i32>} : memref<4096xf32, #tpu.memory_space<vmem>>, vector<16xf32>,
          tpu.vector_store %arg32[%swap3A_477], %min3A_476 {strides = array<i32>} : memref<4096xf32, #tpu.memory_space<vmem>>, vector<16xf32>,
          %slice3A_479 = vector.extract_strided_slice %shift_left3A_123 {offsets = [15], sizes = [1], strides = [1]} : vector<16xi32> to vector<1xi32>
          %squeeze3A_480 = vector.extract %slice3A_479[0] : i32 from vector<1xi32>
          %mul3A_481 = arith.constant 2 : i32
          %mul3A_482 = arith.muli %mul3A_481, %add3A_107 : i32
          %add3A_483 = arith.constant 1 : i32
          %add3A_484 = arith.addi %mul3A_482, %add3A_483 : i32
          %get3A_485 = arith.index_cast %add3A_484 : i32 to index
          %get3A_486 = arith.constant 112 : index
          %get3A_487 = tpu.vector_load %arg13[%get3A_485, %get3A_486] {strides = array<i32>} : memref<64x128xf32, #tpu.memory_space<vmem>>, vector<16xf32>,
          %swap3A_488 = arith.index_cast %squeeze3A_480 : i32 to index
          %swap3A_489 = tpu.vector_load %arg15[%swap3A_488] {strides = array<i32>} : memref<4096xf32, #tpu.memory_space<vmem>>, vector<16xf32>,
          tpu.vector_store %arg15[%swap3A_488], %get3A_487 {add = true, strides = array<i32>} : memref<4096xf32, #tpu.memory_space<vmem>>, vector<16xf32>,
          %mul3A_490 = arith.mulf %get3A_487, %get3A_487 : vector<16xf32>
          %swap3A_491 = arith.index_cast %squeeze3A_480 : i32 to index
          %swap3A_492 = tpu.vector_load %arg16[%swap3A_491] {strides = array<i32>} : memref<4096xf32, #tpu.memory_space<vmem>>, vector<16xf32>,
          tpu.vector_store %arg16[%swap3A_491], %mul3A_490 {add = true, strides = array<i32>} : memref<4096xf32, #tpu.memory_space<vmem>>, vector<16xf32>,
          %get3A_493 = arith.index_cast %squeeze3A_480 : i32 to index
          %get3A_494 = tpu.vector_load %arg25[%get3A_493] {strides = array<i32>} : memref<4096xf32, #tpu.memory_space<vmem>>, vector<16xf32>,
          %max3A_495 = arith.maximumf %get3A_494, %get3A_487 : vector<16xf32>
          %swap3A_496 = arith.index_cast %squeeze3A_480 : i32 to index
          %swap3A_497 = tpu.vector_load %arg25[%swap3A_496] {strides = array<i32>} : memref<4096xf32, #tpu.memory_space<vmem>>, vector<16xf32>,
          tpu.vector_store %arg25[%swap3A_496], %max3A_495 {strides = array<i32>} : memref<4096xf32, #tpu.memory_space<vmem>>, vector<16xf32>,
          %get3A_498 = arith.index_cast %squeeze3A_480 : i32 to index
          %get3A_499 = tpu.vector_load %arg33[%get3A_498] {strides = array<i32>} : memref<4096xf32, #tpu.memory_space<vmem>>, vector<16xf32>,
          %min3A_500 = arith.minimumf %get3A_499, %get3A_487 : vector<16xf32>
          %swap3A_501 = arith.index_cast %squeeze3A_480 : i32 to index
          %swap3A_502 = tpu.vector_load %arg33[%swap3A_501] {strides = array<i32>} : memref<4096xf32, #tpu.memory_space<vmem>>, vector<16xf32>,
          tpu.vector_store %arg33[%swap3A_501], %min3A_500 {strides = array<i32>} : memref<4096xf32, #tpu.memory_space<vmem>>, vector<16xf32>,
        }
        %scan3A_102 = arith.constant 32 : i32
      } else {
      }
      %add3A_55 = arith.constant 0 : i32
      %add3A_56 = arith.addi %add3A_44, %add3A_55 : i32
      %add3A_57 = arith.constant 2 : i32
      %add3A_58 = arith.addi %add3A_56, %add3A_57 : i32
      %mul3A_59 = arith.constant 32 : i32
      %mul3A_60 = arith.muli %mul3A_59, %add3A_58 : i32
      %add3A_61 = arith.addi %add3A, %mul3A_60 : i32
      %lt3A_62 = arith.constant 6250 : i32
      %lt3A_63 = arith.cmpi slt, %add3A_61, %lt3A_62 : i32
      %convert_element_type3A_64 = arith.extui %lt3A_63 : i1 to i32
      %cond3A_65 = arith.constant 0 : i32
      %cond3A_66 = arith.cmpi ne, %convert_element_type3A_64, %cond3A_65 : i32
      scf.if %cond3A_66 {
        %mul3A_89 = arith.constant 512 : i32
        %mul3A_90 = arith.muli %add3A_61, %mul3A_89 : i32
        %dma_start3A_91 = tpu.memref_slice %arg2[%mul3A_90] : memref<3200000xi32, #tpu.memory_space<hbm>> -> memref<512xi32, #tpu.memory_space<hbm>>
        %dma_start3A_92 = tpu.memref_slice %arg2[%mul3A_90] : memref<3200000xi32, #tpu.memory_space<hbm>> -> memref<512xi32, #tpu.memory_space<hbm>>
        tpu.enqueue_dma source(%dma_start3A_92 : memref<512xi32, #tpu.memory_space<hbm>>) target(%arg11 : memref<512xi32, #tpu.memory_space<vmem>>) target_semaphore(%arg34 : memref<!tpu.dma_semaphore, #tpu.memory_space<semaphore_mem>>)
        %mul3A_93 = arith.constant 64 : i32
        %mul3A_94 = arith.muli %add3A_61, %mul3A_93 : i32
        %dma_start3A_95 = arith.constant 0 : i32
        %dma_start3A_96 = tpu.memref_slice %arg3[%mul3A_94, %dma_start3A_95] : memref<400000x128xf32, #tpu.memory_space<hbm>> -> memref<64x128xf32, #tpu.memory_space<hbm>>
        %dma_start3A_97 = arith.constant 0 : i32
        %dma_start3A_98 = tpu.memref_slice %arg3[%mul3A_94, %dma_start3A_97] : memref<400000x128xf32, #tpu.memory_space<hbm>> -> memref<64x128xf32, #tpu.memory_space<hbm>>
        tpu.enqueue_dma source(%dma_start3A_98 : memref<64x128xf32, #tpu.memory_space<hbm>>) target(%arg13 : memref<64x128xf32, #tpu.memory_space<vmem>>) target_semaphore(%arg35 : memref<!tpu.dma_semaphore, #tpu.memory_space<semaphore_mem>>)
      } else {
      }
      %add3A_67 = arith.constant 1 : i32
      %add3A_68 = arith.addi %add3A_44, %add3A_67 : i32
      %mul3A_69 = arith.constant 32 : i32
      %mul3A_70 = arith.muli %mul3A_69, %add3A_68 : i32
      %add3A_71 = arith.addi %add3A, %mul3A_70 : i32
      %lt3A_72 = arith.constant 6250 : i32
      %lt3A_73 = arith.cmpi slt, %add3A_71, %lt3A_72 : i32
      %convert_element_type3A_74 = arith.extui %lt3A_73 : i1 to i32
      %cond3A_75 = arith.constant 0 : i32
      %cond3A_76 = arith.cmpi ne, %convert_element_type3A_74, %cond3A_75 : i32
      scf.if %cond3A_76 {
        %dma_wait3A = arith.constant 0 : i32
        %dma_wait3A_89 = tpu.memref_slice %arg2[%dma_wait3A] : memref<3200000xi32, #tpu.memory_space<hbm>> -> memref<512xi32, #tpu.memory_space<hbm>>
        %dma_wait3A_90 = arith.constant 0 : i32
        %dma_wait3A_91 = tpu.memref_slice %arg2[%dma_wait3A_90] : memref<3200000xi32, #tpu.memory_space<hbm>> -> memref<512xi32, #tpu.memory_space<hbm>>
        tpu.wait_dma2 semaphore(%arg36 : memref<!tpu.dma_semaphore, #tpu.memory_space<semaphore_mem>>) src(%dma_wait3A_91 : memref<512xi32, #tpu.memory_space<hbm>>) dst(%arg12 : memref<512xi32, #tpu.memory_space<vmem>>)
        %dma_wait3A_92 = arith.constant 0 : i32
        %dma_wait3A_93 = arith.constant 0 : i32
        %dma_wait3A_94 = tpu.memref_slice %arg3[%dma_wait3A_92, %dma_wait3A_93] : memref<400000x128xf32, #tpu.memory_space<hbm>> -> memref<64x128xf32, #tpu.memory_space<hbm>>
        %dma_wait3A_95 = arith.constant 0 : i32
        %dma_wait3A_96 = arith.constant 0 : i32
        %dma_wait3A_97 = tpu.memref_slice %arg3[%dma_wait3A_95, %dma_wait3A_96] : memref<400000x128xf32, #tpu.memory_space<hbm>> -> memref<64x128xf32, #tpu.memory_space<hbm>>
        tpu.wait_dma2 semaphore(%arg37 : memref<!tpu.dma_semaphore, #tpu.memory_space<semaphore_mem>>) src(%dma_wait3A_97 : memref<64x128xf32, #tpu.memory_space<hbm>>) dst(%arg14 : memref<64x128xf32, #tpu.memory_space<vmem>>)
        %scan3A_98 = arith.constant 0 : i32
        %scan3A_99 = arith.constant 32 : i32
        %scan3A_100 = arith.addi %scan3A_98, %scan3A_99 : i32
        %scan3A_101 = arith.constant 1 : i32
        scf.for %scan3A_103 = %scan3A_98 to %scan3A_100 step %scan3A_101  : i32 {
          %mul3A_104 = arith.constant 1 : i32
          %mul3A_105 = arith.muli %scan3A_103, %mul3A_104 : i32
          %add3A_106 = arith.constant 0 : i32
          %add3A_107 = arith.addi %add3A_106, %mul3A_105 : i32
          %mul3A_108 = arith.constant 16 : i32
          %mul3A_109 = arith.muli %add3A_107, %mul3A_108 : i32
          %get3A = arith.index_cast %mul3A_109 : i32 to index
          %get3A_110 = tpu.vector_load %arg12[%get3A] {strides = array<i32>} : memref<512xi32, #tpu.memory_space<vmem>>, vector<16xi32>,
          %shift_right_logical3A = arith.constant 2 : i32
          %shift_right_logical3A_111 = vector.broadcast %shift_right_logical3A : i32 to vector<16xi32>
          %shift_right_logical3A_112 = arith.shrui %get3A_110, %shift_right_logical3A_111 : vector<16xi32>
          %gather3A = tpu.vector_load_idx %arg10[%shift_right_logical3A_112] : memref<25000xi32, #tpu.memory_space<vmem>>[vector<16xi32>], vector<16xi32>,
          %and3A = arith.constant 3 : i32
          %and3A_113 = vector.broadcast %and3A : i32 to vector<16xi32>
          %and3A_114 = arith.andi %get3A_110, %and3A_113 : vector<16xi32>
          %shift_left3A = arith.constant 3 : i32
          %shift_left3A_115 = vector.broadcast %shift_left3A : i32 to vector<16xi32>
          %shift_left3A_116 = arith.shli %and3A_114, %shift_left3A_115 : vector<16xi32>
          %shift_right_logical3A_117 = arith.shrui %gather3A, %shift_left3A_116 : vector<16xi32>
          %and3A_118 = arith.constant 255 : i32
          %and3A_119 = vector.broadcast %and3A_118 : i32 to vector<16xi32>
          %and3A_120 = arith.andi %shift_right_logical3A_117, %and3A_119 : vector<16xi32>
          tpu.vector_store_idx %arg17[%and3A_120], %broadcast_in_dim3A_7 {add = true} : memref<256xf32, #tpu.memory_space<vmem>>[vector<16xi32>], vector<16xf32>,
          %shift_left3A_121 = arith.constant 4 : i32
          %shift_left3A_122 = vector.broadcast %shift_left3A_121 : i32 to vector<16xi32>
          %shift_left3A_123 = arith.shli %and3A_120, %shift_left3A_122 : vector<16xi32>
          %slice3A = vector.extract_strided_slice %shift_left3A_123 {offsets = [0], sizes = [1], strides = [1]} : vector<16xi32> to vector<1xi32>
          %squeeze3A = vector.extract %slice3A[0] : i32 from vector<1xi32>
          %mul3A_124 = arith.constant 2 : i32
          %mul3A_125 = arith.muli %mul3A_124, %add3A_107 : i32
          %add3A_126 = arith.constant 0 : i32
          %add3A_127 = arith.addi %mul3A_125, %add3A_126 : i32
          %get3A_128 = arith.index_cast %add3A_127 : i32 to index
          %get3A_129 = arith.constant 0 : index
          %get3A_130 = tpu.vector_load %arg14[%get3A_128, %get3A_129] {strides = array<i32>} : memref<64x128xf32, #tpu.memory_space<vmem>>, vector<16xf32>,
          %swap3A = arith.index_cast %squeeze3A : i32 to index
          %swap3A_131 = tpu.vector_load %arg15[%swap3A] {strides = array<i32>} : memref<4096xf32, #tpu.memory_space<vmem>>, vector<16xf32>,
          tpu.vector_store %arg15[%swap3A], %get3A_130 {add = true, strides = array<i32>} : memref<4096xf32, #tpu.memory_space<vmem>>, vector<16xf32>,
          %mul3A_132 = arith.mulf %get3A_130, %get3A_130 : vector<16xf32>
          %swap3A_133 = arith.index_cast %squeeze3A : i32 to index
          %swap3A_134 = tpu.vector_load %arg16[%swap3A_133] {strides = array<i32>} : memref<4096xf32, #tpu.memory_space<vmem>>, vector<16xf32>,
          tpu.vector_store %arg16[%swap3A_133], %mul3A_132 {add = true, strides = array<i32>} : memref<4096xf32, #tpu.memory_space<vmem>>, vector<16xf32>,
          %get3A_135 = arith.index_cast %squeeze3A : i32 to index
          %get3A_136 = tpu.vector_load %arg18[%get3A_135] {strides = array<i32>} : memref<4096xf32, #tpu.memory_space<vmem>>, vector<16xf32>,
          %max3A = arith.maximumf %get3A_136, %get3A_130 : vector<16xf32>
          %swap3A_137 = arith.index_cast %squeeze3A : i32 to index
          %swap3A_138 = tpu.vector_load %arg18[%swap3A_137] {strides = array<i32>} : memref<4096xf32, #tpu.memory_space<vmem>>, vector<16xf32>,
          tpu.vector_store %arg18[%swap3A_137], %max3A {strides = array<i32>} : memref<4096xf32, #tpu.memory_space<vmem>>, vector<16xf32>,
          %get3A_139 = arith.index_cast %squeeze3A : i32 to index
          %get3A_140 = tpu.vector_load %arg26[%get3A_139] {strides = array<i32>} : memref<4096xf32, #tpu.memory_space<vmem>>, vector<16xf32>,
          %min3A = arith.minimumf %get3A_140, %get3A_130 : vector<16xf32>
          %swap3A_141 = arith.index_cast %squeeze3A : i32 to index
          %swap3A_142 = tpu.vector_load %arg26[%swap3A_141] {strides = array<i32>} : memref<4096xf32, #tpu.memory_space<vmem>>, vector<16xf32>,
          tpu.vector_store %arg26[%swap3A_141], %min3A {strides = array<i32>} : memref<4096xf32, #tpu.memory_space<vmem>>, vector<16xf32>,
          %slice3A_143 = vector.extract_strided_slice %shift_left3A_123 {offsets = [1], sizes = [1], strides = [1]} : vector<16xi32> to vector<1xi32>
          %squeeze3A_144 = vector.extract %slice3A_143[0] : i32 from vector<1xi32>
          %mul3A_145 = arith.constant 2 : i32
          %mul3A_146 = arith.muli %mul3A_145, %add3A_107 : i32
          %add3A_147 = arith.constant 0 : i32
          %add3A_148 = arith.addi %mul3A_146, %add3A_147 : i32
          %get3A_149 = arith.index_cast %add3A_148 : i32 to index
          %get3A_150 = arith.constant 16 : index
          %get3A_151 = tpu.vector_load %arg14[%get3A_149, %get3A_150] {strides = array<i32>} : memref<64x128xf32, #tpu.memory_space<vmem>>, vector<16xf32>,
          %swap3A_152 = arith.index_cast %squeeze3A_144 : i32 to index
          %swap3A_153 = tpu.vector_load %arg15[%swap3A_152] {strides = array<i32>} : memref<4096xf32, #tpu.memory_space<vmem>>, vector<16xf32>,
          tpu.vector_store %arg15[%swap3A_152], %get3A_151 {add = true, strides = array<i32>} : memref<4096xf32, #tpu.memory_space<vmem>>, vector<16xf32>,
          %mul3A_154 = arith.mulf %get3A_151, %get3A_151 : vector<16xf32>
          %swap3A_155 = arith.index_cast %squeeze3A_144 : i32 to index
          %swap3A_156 = tpu.vector_load %arg16[%swap3A_155] {strides = array<i32>} : memref<4096xf32, #tpu.memory_space<vmem>>, vector<16xf32>,
          tpu.vector_store %arg16[%swap3A_155], %mul3A_154 {add = true, strides = array<i32>} : memref<4096xf32, #tpu.memory_space<vmem>>, vector<16xf32>,
          %get3A_157 = arith.index_cast %squeeze3A_144 : i32 to index
          %get3A_158 = tpu.vector_load %arg19[%get3A_157] {strides = array<i32>} : memref<4096xf32, #tpu.memory_space<vmem>>, vector<16xf32>,
          %max3A_159 = arith.maximumf %get3A_158, %get3A_151 : vector<16xf32>
          %swap3A_160 = arith.index_cast %squeeze3A_144 : i32 to index
          %swap3A_161 = tpu.vector_load %arg19[%swap3A_160] {strides = array<i32>} : memref<4096xf32, #tpu.memory_space<vmem>>, vector<16xf32>,
          tpu.vector_store %arg19[%swap3A_160], %max3A_159 {strides = array<i32>} : memref<4096xf32, #tpu.memory_space<vmem>>, vector<16xf32>,
          %get3A_162 = arith.index_cast %squeeze3A_144 : i32 to index
          %get3A_163 = tpu.vector_load %arg27[%get3A_162] {strides = array<i32>} : memref<4096xf32, #tpu.memory_space<vmem>>, vector<16xf32>,
          %min3A_164 = arith.minimumf %get3A_163, %get3A_151 : vector<16xf32>
          %swap3A_165 = arith.index_cast %squeeze3A_144 : i32 to index
          %swap3A_166 = tpu.vector_load %arg27[%swap3A_165] {strides = array<i32>} : memref<4096xf32, #tpu.memory_space<vmem>>, vector<16xf32>,
          tpu.vector_store %arg27[%swap3A_165], %min3A_164 {strides = array<i32>} : memref<4096xf32, #tpu.memory_space<vmem>>, vector<16xf32>,
          %slice3A_167 = vector.extract_strided_slice %shift_left3A_123 {offsets = [2], sizes = [1], strides = [1]} : vector<16xi32> to vector<1xi32>
          %squeeze3A_168 = vector.extract %slice3A_167[0] : i32 from vector<1xi32>
          %mul3A_169 = arith.constant 2 : i32
          %mul3A_170 = arith.muli %mul3A_169, %add3A_107 : i32
          %add3A_171 = arith.constant 0 : i32
          %add3A_172 = arith.addi %mul3A_170, %add3A_171 : i32
          %get3A_173 = arith.index_cast %add3A_172 : i32 to index
          %get3A_174 = arith.constant 32 : index
          %get3A_175 = tpu.vector_load %arg14[%get3A_173, %get3A_174] {strides = array<i32>} : memref<64x128xf32, #tpu.memory_space<vmem>>, vector<16xf32>,
          %swap3A_176 = arith.index_cast %squeeze3A_168 : i32 to index
          %swap3A_177 = tpu.vector_load %arg15[%swap3A_176] {strides = array<i32>} : memref<4096xf32, #tpu.memory_space<vmem>>, vector<16xf32>,
          tpu.vector_store %arg15[%swap3A_176], %get3A_175 {add = true, strides = array<i32>} : memref<4096xf32, #tpu.memory_space<vmem>>, vector<16xf32>,
          %mul3A_178 = arith.mulf %get3A_175, %get3A_175 : vector<16xf32>
          %swap3A_179 = arith.index_cast %squeeze3A_168 : i32 to index
          %swap3A_180 = tpu.vector_load %arg16[%swap3A_179] {strides = array<i32>} : memref<4096xf32, #tpu.memory_space<vmem>>, vector<16xf32>,
          tpu.vector_store %arg16[%swap3A_179], %mul3A_178 {add = true, strides = array<i32>} : memref<4096xf32, #tpu.memory_space<vmem>>, vector<16xf32>,
          %get3A_181 = arith.index_cast %squeeze3A_168 : i32 to index
          %get3A_182 = tpu.vector_load %arg20[%get3A_181] {strides = array<i32>} : memref<4096xf32, #tpu.memory_space<vmem>>, vector<16xf32>,
          %max3A_183 = arith.maximumf %get3A_182, %get3A_175 : vector<16xf32>
          %swap3A_184 = arith.index_cast %squeeze3A_168 : i32 to index
          %swap3A_185 = tpu.vector_load %arg20[%swap3A_184] {strides = array<i32>} : memref<4096xf32, #tpu.memory_space<vmem>>, vector<16xf32>,
          tpu.vector_store %arg20[%swap3A_184], %max3A_183 {strides = array<i32>} : memref<4096xf32, #tpu.memory_space<vmem>>, vector<16xf32>,
          %get3A_186 = arith.index_cast %squeeze3A_168 : i32 to index
          %get3A_187 = tpu.vector_load %arg28[%get3A_186] {strides = array<i32>} : memref<4096xf32, #tpu.memory_space<vmem>>, vector<16xf32>,
          %min3A_188 = arith.minimumf %get3A_187, %get3A_175 : vector<16xf32>
          %swap3A_189 = arith.index_cast %squeeze3A_168 : i32 to index
          %swap3A_190 = tpu.vector_load %arg28[%swap3A_189] {strides = array<i32>} : memref<4096xf32, #tpu.memory_space<vmem>>, vector<16xf32>,
          tpu.vector_store %arg28[%swap3A_189], %min3A_188 {strides = array<i32>} : memref<4096xf32, #tpu.memory_space<vmem>>, vector<16xf32>,
          %slice3A_191 = vector.extract_strided_slice %shift_left3A_123 {offsets = [3], sizes = [1], strides = [1]} : vector<16xi32> to vector<1xi32>
          %squeeze3A_192 = vector.extract %slice3A_191[0] : i32 from vector<1xi32>
          %mul3A_193 = arith.constant 2 : i32
          %mul3A_194 = arith.muli %mul3A_193, %add3A_107 : i32
          %add3A_195 = arith.constant 0 : i32
          %add3A_196 = arith.addi %mul3A_194, %add3A_195 : i32
          %get3A_197 = arith.index_cast %add3A_196 : i32 to index
          %get3A_198 = arith.constant 48 : index
          %get3A_199 = tpu.vector_load %arg14[%get3A_197, %get3A_198] {strides = array<i32>} : memref<64x128xf32, #tpu.memory_space<vmem>>, vector<16xf32>,
          %swap3A_200 = arith.index_cast %squeeze3A_192 : i32 to index
          %swap3A_201 = tpu.vector_load %arg15[%swap3A_200] {strides = array<i32>} : memref<4096xf32, #tpu.memory_space<vmem>>, vector<16xf32>,
          tpu.vector_store %arg15[%swap3A_200], %get3A_199 {add = true, strides = array<i32>} : memref<4096xf32, #tpu.memory_space<vmem>>, vector<16xf32>,
          %mul3A_202 = arith.mulf %get3A_199, %get3A_199 : vector<16xf32>
          %swap3A_203 = arith.index_cast %squeeze3A_192 : i32 to index
          %swap3A_204 = tpu.vector_load %arg16[%swap3A_203] {strides = array<i32>} : memref<4096xf32, #tpu.memory_space<vmem>>, vector<16xf32>,
          tpu.vector_store %arg16[%swap3A_203], %mul3A_202 {add = true, strides = array<i32>} : memref<4096xf32, #tpu.memory_space<vmem>>, vector<16xf32>,
          %get3A_205 = arith.index_cast %squeeze3A_192 : i32 to index
          %get3A_206 = tpu.vector_load %arg21[%get3A_205] {strides = array<i32>} : memref<4096xf32, #tpu.memory_space<vmem>>, vector<16xf32>,
          %max3A_207 = arith.maximumf %get3A_206, %get3A_199 : vector<16xf32>
          %swap3A_208 = arith.index_cast %squeeze3A_192 : i32 to index
          %swap3A_209 = tpu.vector_load %arg21[%swap3A_208] {strides = array<i32>} : memref<4096xf32, #tpu.memory_space<vmem>>, vector<16xf32>,
          tpu.vector_store %arg21[%swap3A_208], %max3A_207 {strides = array<i32>} : memref<4096xf32, #tpu.memory_space<vmem>>, vector<16xf32>,
          %get3A_210 = arith.index_cast %squeeze3A_192 : i32 to index
          %get3A_211 = tpu.vector_load %arg29[%get3A_210] {strides = array<i32>} : memref<4096xf32, #tpu.memory_space<vmem>>, vector<16xf32>,
          %min3A_212 = arith.minimumf %get3A_211, %get3A_199 : vector<16xf32>
          %swap3A_213 = arith.index_cast %squeeze3A_192 : i32 to index
          %swap3A_214 = tpu.vector_load %arg29[%swap3A_213] {strides = array<i32>} : memref<4096xf32, #tpu.memory_space<vmem>>, vector<16xf32>,
          tpu.vector_store %arg29[%swap3A_213], %min3A_212 {strides = array<i32>} : memref<4096xf32, #tpu.memory_space<vmem>>, vector<16xf32>,
          %slice3A_215 = vector.extract_strided_slice %shift_left3A_123 {offsets = [4], sizes = [1], strides = [1]} : vector<16xi32> to vector<1xi32>
          %squeeze3A_216 = vector.extract %slice3A_215[0] : i32 from vector<1xi32>
          %mul3A_217 = arith.constant 2 : i32
          %mul3A_218 = arith.muli %mul3A_217, %add3A_107 : i32
          %add3A_219 = arith.constant 0 : i32
          %add3A_220 = arith.addi %mul3A_218, %add3A_219 : i32
          %get3A_221 = arith.index_cast %add3A_220 : i32 to index
          %get3A_222 = arith.constant 64 : index
          %get3A_223 = tpu.vector_load %arg14[%get3A_221, %get3A_222] {strides = array<i32>} : memref<64x128xf32, #tpu.memory_space<vmem>>, vector<16xf32>,
          %swap3A_224 = arith.index_cast %squeeze3A_216 : i32 to index
          %swap3A_225 = tpu.vector_load %arg15[%swap3A_224] {strides = array<i32>} : memref<4096xf32, #tpu.memory_space<vmem>>, vector<16xf32>,
          tpu.vector_store %arg15[%swap3A_224], %get3A_223 {add = true, strides = array<i32>} : memref<4096xf32, #tpu.memory_space<vmem>>, vector<16xf32>,
          %mul3A_226 = arith.mulf %get3A_223, %get3A_223 : vector<16xf32>
          %swap3A_227 = arith.index_cast %squeeze3A_216 : i32 to index
          %swap3A_228 = tpu.vector_load %arg16[%swap3A_227] {strides = array<i32>} : memref<4096xf32, #tpu.memory_space<vmem>>, vector<16xf32>,
          tpu.vector_store %arg16[%swap3A_227], %mul3A_226 {add = true, strides = array<i32>} : memref<4096xf32, #tpu.memory_space<vmem>>, vector<16xf32>,
          %get3A_229 = arith.index_cast %squeeze3A_216 : i32 to index
          %get3A_230 = tpu.vector_load %arg22[%get3A_229] {strides = array<i32>} : memref<4096xf32, #tpu.memory_space<vmem>>, vector<16xf32>,
          %max3A_231 = arith.maximumf %get3A_230, %get3A_223 : vector<16xf32>
          %swap3A_232 = arith.index_cast %squeeze3A_216 : i32 to index
          %swap3A_233 = tpu.vector_load %arg22[%swap3A_232] {strides = array<i32>} : memref<4096xf32, #tpu.memory_space<vmem>>, vector<16xf32>,
          tpu.vector_store %arg22[%swap3A_232], %max3A_231 {strides = array<i32>} : memref<4096xf32, #tpu.memory_space<vmem>>, vector<16xf32>,
          %get3A_234 = arith.index_cast %squeeze3A_216 : i32 to index
          %get3A_235 = tpu.vector_load %arg30[%get3A_234] {strides = array<i32>} : memref<4096xf32, #tpu.memory_space<vmem>>, vector<16xf32>,
          %min3A_236 = arith.minimumf %get3A_235, %get3A_223 : vector<16xf32>
          %swap3A_237 = arith.index_cast %squeeze3A_216 : i32 to index
          %swap3A_238 = tpu.vector_load %arg30[%swap3A_237] {strides = array<i32>} : memref<4096xf32, #tpu.memory_space<vmem>>, vector<16xf32>,
          tpu.vector_store %arg30[%swap3A_237], %min3A_236 {strides = array<i32>} : memref<4096xf32, #tpu.memory_space<vmem>>, vector<16xf32>,
          %slice3A_239 = vector.extract_strided_slice %shift_left3A_123 {offsets = [5], sizes = [1], strides = [1]} : vector<16xi32> to vector<1xi32>
          %squeeze3A_240 = vector.extract %slice3A_239[0] : i32 from vector<1xi32>
          %mul3A_241 = arith.constant 2 : i32
          %mul3A_242 = arith.muli %mul3A_241, %add3A_107 : i32
          %add3A_243 = arith.constant 0 : i32
          %add3A_244 = arith.addi %mul3A_242, %add3A_243 : i32
          %get3A_245 = arith.index_cast %add3A_244 : i32 to index
          %get3A_246 = arith.constant 80 : index
          %get3A_247 = tpu.vector_load %arg14[%get3A_245, %get3A_246] {strides = array<i32>} : memref<64x128xf32, #tpu.memory_space<vmem>>, vector<16xf32>,
          %swap3A_248 = arith.index_cast %squeeze3A_240 : i32 to index
          %swap3A_249 = tpu.vector_load %arg15[%swap3A_248] {strides = array<i32>} : memref<4096xf32, #tpu.memory_space<vmem>>, vector<16xf32>,
          tpu.vector_store %arg15[%swap3A_248], %get3A_247 {add = true, strides = array<i32>} : memref<4096xf32, #tpu.memory_space<vmem>>, vector<16xf32>,
          %mul3A_250 = arith.mulf %get3A_247, %get3A_247 : vector<16xf32>
          %swap3A_251 = arith.index_cast %squeeze3A_240 : i32 to index
          %swap3A_252 = tpu.vector_load %arg16[%swap3A_251] {strides = array<i32>} : memref<4096xf32, #tpu.memory_space<vmem>>, vector<16xf32>,
          tpu.vector_store %arg16[%swap3A_251], %mul3A_250 {add = true, strides = array<i32>} : memref<4096xf32, #tpu.memory_space<vmem>>, vector<16xf32>,
          %get3A_253 = arith.index_cast %squeeze3A_240 : i32 to index
          %get3A_254 = tpu.vector_load %arg23[%get3A_253] {strides = array<i32>} : memref<4096xf32, #tpu.memory_space<vmem>>, vector<16xf32>,
          %max3A_255 = arith.maximumf %get3A_254, %get3A_247 : vector<16xf32>
          %swap3A_256 = arith.index_cast %squeeze3A_240 : i32 to index
          %swap3A_257 = tpu.vector_load %arg23[%swap3A_256] {strides = array<i32>} : memref<4096xf32, #tpu.memory_space<vmem>>, vector<16xf32>,
          tpu.vector_store %arg23[%swap3A_256], %max3A_255 {strides = array<i32>} : memref<4096xf32, #tpu.memory_space<vmem>>, vector<16xf32>,
          %get3A_258 = arith.index_cast %squeeze3A_240 : i32 to index
          %get3A_259 = tpu.vector_load %arg31[%get3A_258] {strides = array<i32>} : memref<4096xf32, #tpu.memory_space<vmem>>, vector<16xf32>,
          %min3A_260 = arith.minimumf %get3A_259, %get3A_247 : vector<16xf32>
          %swap3A_261 = arith.index_cast %squeeze3A_240 : i32 to index
          %swap3A_262 = tpu.vector_load %arg31[%swap3A_261] {strides = array<i32>} : memref<4096xf32, #tpu.memory_space<vmem>>, vector<16xf32>,
          tpu.vector_store %arg31[%swap3A_261], %min3A_260 {strides = array<i32>} : memref<4096xf32, #tpu.memory_space<vmem>>, vector<16xf32>,
          %slice3A_263 = vector.extract_strided_slice %shift_left3A_123 {offsets = [6], sizes = [1], strides = [1]} : vector<16xi32> to vector<1xi32>
          %squeeze3A_264 = vector.extract %slice3A_263[0] : i32 from vector<1xi32>
          %mul3A_265 = arith.constant 2 : i32
          %mul3A_266 = arith.muli %mul3A_265, %add3A_107 : i32
          %add3A_267 = arith.constant 0 : i32
          %add3A_268 = arith.addi %mul3A_266, %add3A_267 : i32
          %get3A_269 = arith.index_cast %add3A_268 : i32 to index
          %get3A_270 = arith.constant 96 : index
          %get3A_271 = tpu.vector_load %arg14[%get3A_269, %get3A_270] {strides = array<i32>} : memref<64x128xf32, #tpu.memory_space<vmem>>, vector<16xf32>,
          %swap3A_272 = arith.index_cast %squeeze3A_264 : i32 to index
          %swap3A_273 = tpu.vector_load %arg15[%swap3A_272] {strides = array<i32>} : memref<4096xf32, #tpu.memory_space<vmem>>, vector<16xf32>,
          tpu.vector_store %arg15[%swap3A_272], %get3A_271 {add = true, strides = array<i32>} : memref<4096xf32, #tpu.memory_space<vmem>>, vector<16xf32>,
          %mul3A_274 = arith.mulf %get3A_271, %get3A_271 : vector<16xf32>
          %swap3A_275 = arith.index_cast %squeeze3A_264 : i32 to index
          %swap3A_276 = tpu.vector_load %arg16[%swap3A_275] {strides = array<i32>} : memref<4096xf32, #tpu.memory_space<vmem>>, vector<16xf32>,
          tpu.vector_store %arg16[%swap3A_275], %mul3A_274 {add = true, strides = array<i32>} : memref<4096xf32, #tpu.memory_space<vmem>>, vector<16xf32>,
          %get3A_277 = arith.index_cast %squeeze3A_264 : i32 to index
          %get3A_278 = tpu.vector_load %arg24[%get3A_277] {strides = array<i32>} : memref<4096xf32, #tpu.memory_space<vmem>>, vector<16xf32>,
          %max3A_279 = arith.maximumf %get3A_278, %get3A_271 : vector<16xf32>
          %swap3A_280 = arith.index_cast %squeeze3A_264 : i32 to index
          %swap3A_281 = tpu.vector_load %arg24[%swap3A_280] {strides = array<i32>} : memref<4096xf32, #tpu.memory_space<vmem>>, vector<16xf32>,
          tpu.vector_store %arg24[%swap3A_280], %max3A_279 {strides = array<i32>} : memref<4096xf32, #tpu.memory_space<vmem>>, vector<16xf32>,
          %get3A_282 = arith.index_cast %squeeze3A_264 : i32 to index
          %get3A_283 = tpu.vector_load %arg32[%get3A_282] {strides = array<i32>} : memref<4096xf32, #tpu.memory_space<vmem>>, vector<16xf32>,
          %min3A_284 = arith.minimumf %get3A_283, %get3A_271 : vector<16xf32>
          %swap3A_285 = arith.index_cast %squeeze3A_264 : i32 to index
          %swap3A_286 = tpu.vector_load %arg32[%swap3A_285] {strides = array<i32>} : memref<4096xf32, #tpu.memory_space<vmem>>, vector<16xf32>,
          tpu.vector_store %arg32[%swap3A_285], %min3A_284 {strides = array<i32>} : memref<4096xf32, #tpu.memory_space<vmem>>, vector<16xf32>,
          %slice3A_287 = vector.extract_strided_slice %shift_left3A_123 {offsets = [7], sizes = [1], strides = [1]} : vector<16xi32> to vector<1xi32>
          %squeeze3A_288 = vector.extract %slice3A_287[0] : i32 from vector<1xi32>
          %mul3A_289 = arith.constant 2 : i32
          %mul3A_290 = arith.muli %mul3A_289, %add3A_107 : i32
          %add3A_291 = arith.constant 0 : i32
          %add3A_292 = arith.addi %mul3A_290, %add3A_291 : i32
          %get3A_293 = arith.index_cast %add3A_292 : i32 to index
          %get3A_294 = arith.constant 112 : index
          %get3A_295 = tpu.vector_load %arg14[%get3A_293, %get3A_294] {strides = array<i32>} : memref<64x128xf32, #tpu.memory_space<vmem>>, vector<16xf32>,
          %swap3A_296 = arith.index_cast %squeeze3A_288 : i32 to index
          %swap3A_297 = tpu.vector_load %arg15[%swap3A_296] {strides = array<i32>} : memref<4096xf32, #tpu.memory_space<vmem>>, vector<16xf32>,
          tpu.vector_store %arg15[%swap3A_296], %get3A_295 {add = true, strides = array<i32>} : memref<4096xf32, #tpu.memory_space<vmem>>, vector<16xf32>,
          %mul3A_298 = arith.mulf %get3A_295, %get3A_295 : vector<16xf32>
          %swap3A_299 = arith.index_cast %squeeze3A_288 : i32 to index
          %swap3A_300 = tpu.vector_load %arg16[%swap3A_299] {strides = array<i32>} : memref<4096xf32, #tpu.memory_space<vmem>>, vector<16xf32>,
          tpu.vector_store %arg16[%swap3A_299], %mul3A_298 {add = true, strides = array<i32>} : memref<4096xf32, #tpu.memory_space<vmem>>, vector<16xf32>,
          %get3A_301 = arith.index_cast %squeeze3A_288 : i32 to index
          %get3A_302 = tpu.vector_load %arg25[%get3A_301] {strides = array<i32>} : memref<4096xf32, #tpu.memory_space<vmem>>, vector<16xf32>,
          %max3A_303 = arith.maximumf %get3A_302, %get3A_295 : vector<16xf32>
          %swap3A_304 = arith.index_cast %squeeze3A_288 : i32 to index
          %swap3A_305 = tpu.vector_load %arg25[%swap3A_304] {strides = array<i32>} : memref<4096xf32, #tpu.memory_space<vmem>>, vector<16xf32>,
          tpu.vector_store %arg25[%swap3A_304], %max3A_303 {strides = array<i32>} : memref<4096xf32, #tpu.memory_space<vmem>>, vector<16xf32>,
          %get3A_306 = arith.index_cast %squeeze3A_288 : i32 to index
          %get3A_307 = tpu.vector_load %arg33[%get3A_306] {strides = array<i32>} : memref<4096xf32, #tpu.memory_space<vmem>>, vector<16xf32>,
          %min3A_308 = arith.minimumf %get3A_307, %get3A_295 : vector<16xf32>
          %swap3A_309 = arith.index_cast %squeeze3A_288 : i32 to index
          %swap3A_310 = tpu.vector_load %arg33[%swap3A_309] {strides = array<i32>} : memref<4096xf32, #tpu.memory_space<vmem>>, vector<16xf32>,
          tpu.vector_store %arg33[%swap3A_309], %min3A_308 {strides = array<i32>} : memref<4096xf32, #tpu.memory_space<vmem>>, vector<16xf32>,
          %slice3A_311 = vector.extract_strided_slice %shift_left3A_123 {offsets = [8], sizes = [1], strides = [1]} : vector<16xi32> to vector<1xi32>
          %squeeze3A_312 = vector.extract %slice3A_311[0] : i32 from vector<1xi32>
          %mul3A_313 = arith.constant 2 : i32
          %mul3A_314 = arith.muli %mul3A_313, %add3A_107 : i32
          %add3A_315 = arith.constant 1 : i32
          %add3A_316 = arith.addi %mul3A_314, %add3A_315 : i32
          %get3A_317 = arith.index_cast %add3A_316 : i32 to index
          %get3A_318 = arith.constant 0 : index
          %get3A_319 = tpu.vector_load %arg14[%get3A_317, %get3A_318] {strides = array<i32>} : memref<64x128xf32, #tpu.memory_space<vmem>>, vector<16xf32>,
          %swap3A_320 = arith.index_cast %squeeze3A_312 : i32 to index
          %swap3A_321 = tpu.vector_load %arg15[%swap3A_320] {strides = array<i32>} : memref<4096xf32, #tpu.memory_space<vmem>>, vector<16xf32>,
          tpu.vector_store %arg15[%swap3A_320], %get3A_319 {add = true, strides = array<i32>} : memref<4096xf32, #tpu.memory_space<vmem>>, vector<16xf32>,
          %mul3A_322 = arith.mulf %get3A_319, %get3A_319 : vector<16xf32>
          %swap3A_323 = arith.index_cast %squeeze3A_312 : i32 to index
          %swap3A_324 = tpu.vector_load %arg16[%swap3A_323] {strides = array<i32>} : memref<4096xf32, #tpu.memory_space<vmem>>, vector<16xf32>,
          tpu.vector_store %arg16[%swap3A_323], %mul3A_322 {add = true, strides = array<i32>} : memref<4096xf32, #tpu.memory_space<vmem>>, vector<16xf32>,
          %get3A_325 = arith.index_cast %squeeze3A_312 : i32 to index
          %get3A_326 = tpu.vector_load %arg18[%get3A_325] {strides = array<i32>} : memref<4096xf32, #tpu.memory_space<vmem>>, vector<16xf32>,
          %max3A_327 = arith.maximumf %get3A_326, %get3A_319 : vector<16xf32>
          %swap3A_328 = arith.index_cast %squeeze3A_312 : i32 to index
          %swap3A_329 = tpu.vector_load %arg18[%swap3A_328] {strides = array<i32>} : memref<4096xf32, #tpu.memory_space<vmem>>, vector<16xf32>,
          tpu.vector_store %arg18[%swap3A_328], %max3A_327 {strides = array<i32>} : memref<4096xf32, #tpu.memory_space<vmem>>, vector<16xf32>,
          %get3A_330 = arith.index_cast %squeeze3A_312 : i32 to index
          %get3A_331 = tpu.vector_load %arg26[%get3A_330] {strides = array<i32>} : memref<4096xf32, #tpu.memory_space<vmem>>, vector<16xf32>,
          %min3A_332 = arith.minimumf %get3A_331, %get3A_319 : vector<16xf32>
          %swap3A_333 = arith.index_cast %squeeze3A_312 : i32 to index
          %swap3A_334 = tpu.vector_load %arg26[%swap3A_333] {strides = array<i32>} : memref<4096xf32, #tpu.memory_space<vmem>>, vector<16xf32>,
          tpu.vector_store %arg26[%swap3A_333], %min3A_332 {strides = array<i32>} : memref<4096xf32, #tpu.memory_space<vmem>>, vector<16xf32>,
          %slice3A_335 = vector.extract_strided_slice %shift_left3A_123 {offsets = [9], sizes = [1], strides = [1]} : vector<16xi32> to vector<1xi32>
          %squeeze3A_336 = vector.extract %slice3A_335[0] : i32 from vector<1xi32>
          %mul3A_337 = arith.constant 2 : i32
          %mul3A_338 = arith.muli %mul3A_337, %add3A_107 : i32
          %add3A_339 = arith.constant 1 : i32
          %add3A_340 = arith.addi %mul3A_338, %add3A_339 : i32
          %get3A_341 = arith.index_cast %add3A_340 : i32 to index
          %get3A_342 = arith.constant 16 : index
          %get3A_343 = tpu.vector_load %arg14[%get3A_341, %get3A_342] {strides = array<i32>} : memref<64x128xf32, #tpu.memory_space<vmem>>, vector<16xf32>,
          %swap3A_344 = arith.index_cast %squeeze3A_336 : i32 to index
          %swap3A_345 = tpu.vector_load %arg15[%swap3A_344] {strides = array<i32>} : memref<4096xf32, #tpu.memory_space<vmem>>, vector<16xf32>,
          tpu.vector_store %arg15[%swap3A_344], %get3A_343 {add = true, strides = array<i32>} : memref<4096xf32, #tpu.memory_space<vmem>>, vector<16xf32>,
          %mul3A_346 = arith.mulf %get3A_343, %get3A_343 : vector<16xf32>
          %swap3A_347 = arith.index_cast %squeeze3A_336 : i32 to index
          %swap3A_348 = tpu.vector_load %arg16[%swap3A_347] {strides = array<i32>} : memref<4096xf32, #tpu.memory_space<vmem>>, vector<16xf32>,
          tpu.vector_store %arg16[%swap3A_347], %mul3A_346 {add = true, strides = array<i32>} : memref<4096xf32, #tpu.memory_space<vmem>>, vector<16xf32>,
          %get3A_349 = arith.index_cast %squeeze3A_336 : i32 to index
          %get3A_350 = tpu.vector_load %arg19[%get3A_349] {strides = array<i32>} : memref<4096xf32, #tpu.memory_space<vmem>>, vector<16xf32>,
          %max3A_351 = arith.maximumf %get3A_350, %get3A_343 : vector<16xf32>
          %swap3A_352 = arith.index_cast %squeeze3A_336 : i32 to index
          %swap3A_353 = tpu.vector_load %arg19[%swap3A_352] {strides = array<i32>} : memref<4096xf32, #tpu.memory_space<vmem>>, vector<16xf32>,
          tpu.vector_store %arg19[%swap3A_352], %max3A_351 {strides = array<i32>} : memref<4096xf32, #tpu.memory_space<vmem>>, vector<16xf32>,
          %get3A_354 = arith.index_cast %squeeze3A_336 : i32 to index
          %get3A_355 = tpu.vector_load %arg27[%get3A_354] {strides = array<i32>} : memref<4096xf32, #tpu.memory_space<vmem>>, vector<16xf32>,
          %min3A_356 = arith.minimumf %get3A_355, %get3A_343 : vector<16xf32>
          %swap3A_357 = arith.index_cast %squeeze3A_336 : i32 to index
          %swap3A_358 = tpu.vector_load %arg27[%swap3A_357] {strides = array<i32>} : memref<4096xf32, #tpu.memory_space<vmem>>, vector<16xf32>,
          tpu.vector_store %arg27[%swap3A_357], %min3A_356 {strides = array<i32>} : memref<4096xf32, #tpu.memory_space<vmem>>, vector<16xf32>,
          %slice3A_359 = vector.extract_strided_slice %shift_left3A_123 {offsets = [10], sizes = [1], strides = [1]} : vector<16xi32> to vector<1xi32>
          %squeeze3A_360 = vector.extract %slice3A_359[0] : i32 from vector<1xi32>
          %mul3A_361 = arith.constant 2 : i32
          %mul3A_362 = arith.muli %mul3A_361, %add3A_107 : i32
          %add3A_363 = arith.constant 1 : i32
          %add3A_364 = arith.addi %mul3A_362, %add3A_363 : i32
          %get3A_365 = arith.index_cast %add3A_364 : i32 to index
          %get3A_366 = arith.constant 32 : index
          %get3A_367 = tpu.vector_load %arg14[%get3A_365, %get3A_366] {strides = array<i32>} : memref<64x128xf32, #tpu.memory_space<vmem>>, vector<16xf32>,
          %swap3A_368 = arith.index_cast %squeeze3A_360 : i32 to index
          %swap3A_369 = tpu.vector_load %arg15[%swap3A_368] {strides = array<i32>} : memref<4096xf32, #tpu.memory_space<vmem>>, vector<16xf32>,
          tpu.vector_store %arg15[%swap3A_368], %get3A_367 {add = true, strides = array<i32>} : memref<4096xf32, #tpu.memory_space<vmem>>, vector<16xf32>,
          %mul3A_370 = arith.mulf %get3A_367, %get3A_367 : vector<16xf32>
          %swap3A_371 = arith.index_cast %squeeze3A_360 : i32 to index
          %swap3A_372 = tpu.vector_load %arg16[%swap3A_371] {strides = array<i32>} : memref<4096xf32, #tpu.memory_space<vmem>>, vector<16xf32>,
          tpu.vector_store %arg16[%swap3A_371], %mul3A_370 {add = true, strides = array<i32>} : memref<4096xf32, #tpu.memory_space<vmem>>, vector<16xf32>,
          %get3A_373 = arith.index_cast %squeeze3A_360 : i32 to index
          %get3A_374 = tpu.vector_load %arg20[%get3A_373] {strides = array<i32>} : memref<4096xf32, #tpu.memory_space<vmem>>, vector<16xf32>,
          %max3A_375 = arith.maximumf %get3A_374, %get3A_367 : vector<16xf32>
          %swap3A_376 = arith.index_cast %squeeze3A_360 : i32 to index
          %swap3A_377 = tpu.vector_load %arg20[%swap3A_376] {strides = array<i32>} : memref<4096xf32, #tpu.memory_space<vmem>>, vector<16xf32>,
          tpu.vector_store %arg20[%swap3A_376], %max3A_375 {strides = array<i32>} : memref<4096xf32, #tpu.memory_space<vmem>>, vector<16xf32>,
          %get3A_378 = arith.index_cast %squeeze3A_360 : i32 to index
          %get3A_379 = tpu.vector_load %arg28[%get3A_378] {strides = array<i32>} : memref<4096xf32, #tpu.memory_space<vmem>>, vector<16xf32>,
          %min3A_380 = arith.minimumf %get3A_379, %get3A_367 : vector<16xf32>
          %swap3A_381 = arith.index_cast %squeeze3A_360 : i32 to index
          %swap3A_382 = tpu.vector_load %arg28[%swap3A_381] {strides = array<i32>} : memref<4096xf32, #tpu.memory_space<vmem>>, vector<16xf32>,
          tpu.vector_store %arg28[%swap3A_381], %min3A_380 {strides = array<i32>} : memref<4096xf32, #tpu.memory_space<vmem>>, vector<16xf32>,
          %slice3A_383 = vector.extract_strided_slice %shift_left3A_123 {offsets = [11], sizes = [1], strides = [1]} : vector<16xi32> to vector<1xi32>
          %squeeze3A_384 = vector.extract %slice3A_383[0] : i32 from vector<1xi32>
          %mul3A_385 = arith.constant 2 : i32
          %mul3A_386 = arith.muli %mul3A_385, %add3A_107 : i32
          %add3A_387 = arith.constant 1 : i32
          %add3A_388 = arith.addi %mul3A_386, %add3A_387 : i32
          %get3A_389 = arith.index_cast %add3A_388 : i32 to index
          %get3A_390 = arith.constant 48 : index
          %get3A_391 = tpu.vector_load %arg14[%get3A_389, %get3A_390] {strides = array<i32>} : memref<64x128xf32, #tpu.memory_space<vmem>>, vector<16xf32>,
          %swap3A_392 = arith.index_cast %squeeze3A_384 : i32 to index
          %swap3A_393 = tpu.vector_load %arg15[%swap3A_392] {strides = array<i32>} : memref<4096xf32, #tpu.memory_space<vmem>>, vector<16xf32>,
          tpu.vector_store %arg15[%swap3A_392], %get3A_391 {add = true, strides = array<i32>} : memref<4096xf32, #tpu.memory_space<vmem>>, vector<16xf32>,
          %mul3A_394 = arith.mulf %get3A_391, %get3A_391 : vector<16xf32>
          %swap3A_395 = arith.index_cast %squeeze3A_384 : i32 to index
          %swap3A_396 = tpu.vector_load %arg16[%swap3A_395] {strides = array<i32>} : memref<4096xf32, #tpu.memory_space<vmem>>, vector<16xf32>,
          tpu.vector_store %arg16[%swap3A_395], %mul3A_394 {add = true, strides = array<i32>} : memref<4096xf32, #tpu.memory_space<vmem>>, vector<16xf32>,
          %get3A_397 = arith.index_cast %squeeze3A_384 : i32 to index
          %get3A_398 = tpu.vector_load %arg21[%get3A_397] {strides = array<i32>} : memref<4096xf32, #tpu.memory_space<vmem>>, vector<16xf32>,
          %max3A_399 = arith.maximumf %get3A_398, %get3A_391 : vector<16xf32>
          %swap3A_400 = arith.index_cast %squeeze3A_384 : i32 to index
          %swap3A_401 = tpu.vector_load %arg21[%swap3A_400] {strides = array<i32>} : memref<4096xf32, #tpu.memory_space<vmem>>, vector<16xf32>,
          tpu.vector_store %arg21[%swap3A_400], %max3A_399 {strides = array<i32>} : memref<4096xf32, #tpu.memory_space<vmem>>, vector<16xf32>,
          %get3A_402 = arith.index_cast %squeeze3A_384 : i32 to index
          %get3A_403 = tpu.vector_load %arg29[%get3A_402] {strides = array<i32>} : memref<4096xf32, #tpu.memory_space<vmem>>, vector<16xf32>,
          %min3A_404 = arith.minimumf %get3A_403, %get3A_391 : vector<16xf32>
          %swap3A_405 = arith.index_cast %squeeze3A_384 : i32 to index
          %swap3A_406 = tpu.vector_load %arg29[%swap3A_405] {strides = array<i32>} : memref<4096xf32, #tpu.memory_space<vmem>>, vector<16xf32>,
          tpu.vector_store %arg29[%swap3A_405], %min3A_404 {strides = array<i32>} : memref<4096xf32, #tpu.memory_space<vmem>>, vector<16xf32>,
          %slice3A_407 = vector.extract_strided_slice %shift_left3A_123 {offsets = [12], sizes = [1], strides = [1]} : vector<16xi32> to vector<1xi32>
          %squeeze3A_408 = vector.extract %slice3A_407[0] : i32 from vector<1xi32>
          %mul3A_409 = arith.constant 2 : i32
          %mul3A_410 = arith.muli %mul3A_409, %add3A_107 : i32
          %add3A_411 = arith.constant 1 : i32
          %add3A_412 = arith.addi %mul3A_410, %add3A_411 : i32
          %get3A_413 = arith.index_cast %add3A_412 : i32 to index
          %get3A_414 = arith.constant 64 : index
          %get3A_415 = tpu.vector_load %arg14[%get3A_413, %get3A_414] {strides = array<i32>} : memref<64x128xf32, #tpu.memory_space<vmem>>, vector<16xf32>,
          %swap3A_416 = arith.index_cast %squeeze3A_408 : i32 to index
          %swap3A_417 = tpu.vector_load %arg15[%swap3A_416] {strides = array<i32>} : memref<4096xf32, #tpu.memory_space<vmem>>, vector<16xf32>,
          tpu.vector_store %arg15[%swap3A_416], %get3A_415 {add = true, strides = array<i32>} : memref<4096xf32, #tpu.memory_space<vmem>>, vector<16xf32>,
          %mul3A_418 = arith.mulf %get3A_415, %get3A_415 : vector<16xf32>
          %swap3A_419 = arith.index_cast %squeeze3A_408 : i32 to index
          %swap3A_420 = tpu.vector_load %arg16[%swap3A_419] {strides = array<i32>} : memref<4096xf32, #tpu.memory_space<vmem>>, vector<16xf32>,
          tpu.vector_store %arg16[%swap3A_419], %mul3A_418 {add = true, strides = array<i32>} : memref<4096xf32, #tpu.memory_space<vmem>>, vector<16xf32>,
          %get3A_421 = arith.index_cast %squeeze3A_408 : i32 to index
          %get3A_422 = tpu.vector_load %arg22[%get3A_421] {strides = array<i32>} : memref<4096xf32, #tpu.memory_space<vmem>>, vector<16xf32>,
          %max3A_423 = arith.maximumf %get3A_422, %get3A_415 : vector<16xf32>
          %swap3A_424 = arith.index_cast %squeeze3A_408 : i32 to index
          %swap3A_425 = tpu.vector_load %arg22[%swap3A_424] {strides = array<i32>} : memref<4096xf32, #tpu.memory_space<vmem>>, vector<16xf32>,
          tpu.vector_store %arg22[%swap3A_424], %max3A_423 {strides = array<i32>} : memref<4096xf32, #tpu.memory_space<vmem>>, vector<16xf32>,
          %get3A_426 = arith.index_cast %squeeze3A_408 : i32 to index
          %get3A_427 = tpu.vector_load %arg30[%get3A_426] {strides = array<i32>} : memref<4096xf32, #tpu.memory_space<vmem>>, vector<16xf32>,
          %min3A_428 = arith.minimumf %get3A_427, %get3A_415 : vector<16xf32>
          %swap3A_429 = arith.index_cast %squeeze3A_408 : i32 to index
          %swap3A_430 = tpu.vector_load %arg30[%swap3A_429] {strides = array<i32>} : memref<4096xf32, #tpu.memory_space<vmem>>, vector<16xf32>,
          tpu.vector_store %arg30[%swap3A_429], %min3A_428 {strides = array<i32>} : memref<4096xf32, #tpu.memory_space<vmem>>, vector<16xf32>,
          %slice3A_431 = vector.extract_strided_slice %shift_left3A_123 {offsets = [13], sizes = [1], strides = [1]} : vector<16xi32> to vector<1xi32>
          %squeeze3A_432 = vector.extract %slice3A_431[0] : i32 from vector<1xi32>
          %mul3A_433 = arith.constant 2 : i32
          %mul3A_434 = arith.muli %mul3A_433, %add3A_107 : i32
          %add3A_435 = arith.constant 1 : i32
          %add3A_436 = arith.addi %mul3A_434, %add3A_435 : i32
          %get3A_437 = arith.index_cast %add3A_436 : i32 to index
          %get3A_438 = arith.constant 80 : index
          %get3A_439 = tpu.vector_load %arg14[%get3A_437, %get3A_438] {strides = array<i32>} : memref<64x128xf32, #tpu.memory_space<vmem>>, vector<16xf32>,
          %swap3A_440 = arith.index_cast %squeeze3A_432 : i32 to index
          %swap3A_441 = tpu.vector_load %arg15[%swap3A_440] {strides = array<i32>} : memref<4096xf32, #tpu.memory_space<vmem>>, vector<16xf32>,
          tpu.vector_store %arg15[%swap3A_440], %get3A_439 {add = true, strides = array<i32>} : memref<4096xf32, #tpu.memory_space<vmem>>, vector<16xf32>,
          %mul3A_442 = arith.mulf %get3A_439, %get3A_439 : vector<16xf32>
          %swap3A_443 = arith.index_cast %squeeze3A_432 : i32 to index
          %swap3A_444 = tpu.vector_load %arg16[%swap3A_443] {strides = array<i32>} : memref<4096xf32, #tpu.memory_space<vmem>>, vector<16xf32>,
          tpu.vector_store %arg16[%swap3A_443], %mul3A_442 {add = true, strides = array<i32>} : memref<4096xf32, #tpu.memory_space<vmem>>, vector<16xf32>,
          %get3A_445 = arith.index_cast %squeeze3A_432 : i32 to index
          %get3A_446 = tpu.vector_load %arg23[%get3A_445] {strides = array<i32>} : memref<4096xf32, #tpu.memory_space<vmem>>, vector<16xf32>,
          %max3A_447 = arith.maximumf %get3A_446, %get3A_439 : vector<16xf32>
          %swap3A_448 = arith.index_cast %squeeze3A_432 : i32 to index
          %swap3A_449 = tpu.vector_load %arg23[%swap3A_448] {strides = array<i32>} : memref<4096xf32, #tpu.memory_space<vmem>>, vector<16xf32>,
          tpu.vector_store %arg23[%swap3A_448], %max3A_447 {strides = array<i32>} : memref<4096xf32, #tpu.memory_space<vmem>>, vector<16xf32>,
          %get3A_450 = arith.index_cast %squeeze3A_432 : i32 to index
          %get3A_451 = tpu.vector_load %arg31[%get3A_450] {strides = array<i32>} : memref<4096xf32, #tpu.memory_space<vmem>>, vector<16xf32>,
          %min3A_452 = arith.minimumf %get3A_451, %get3A_439 : vector<16xf32>
          %swap3A_453 = arith.index_cast %squeeze3A_432 : i32 to index
          %swap3A_454 = tpu.vector_load %arg31[%swap3A_453] {strides = array<i32>} : memref<4096xf32, #tpu.memory_space<vmem>>, vector<16xf32>,
          tpu.vector_store %arg31[%swap3A_453], %min3A_452 {strides = array<i32>} : memref<4096xf32, #tpu.memory_space<vmem>>, vector<16xf32>,
          %slice3A_455 = vector.extract_strided_slice %shift_left3A_123 {offsets = [14], sizes = [1], strides = [1]} : vector<16xi32> to vector<1xi32>
          %squeeze3A_456 = vector.extract %slice3A_455[0] : i32 from vector<1xi32>
          %mul3A_457 = arith.constant 2 : i32
          %mul3A_458 = arith.muli %mul3A_457, %add3A_107 : i32
          %add3A_459 = arith.constant 1 : i32
          %add3A_460 = arith.addi %mul3A_458, %add3A_459 : i32
          %get3A_461 = arith.index_cast %add3A_460 : i32 to index
          %get3A_462 = arith.constant 96 : index
          %get3A_463 = tpu.vector_load %arg14[%get3A_461, %get3A_462] {strides = array<i32>} : memref<64x128xf32, #tpu.memory_space<vmem>>, vector<16xf32>,
          %swap3A_464 = arith.index_cast %squeeze3A_456 : i32 to index
          %swap3A_465 = tpu.vector_load %arg15[%swap3A_464] {strides = array<i32>} : memref<4096xf32, #tpu.memory_space<vmem>>, vector<16xf32>,
          tpu.vector_store %arg15[%swap3A_464], %get3A_463 {add = true, strides = array<i32>} : memref<4096xf32, #tpu.memory_space<vmem>>, vector<16xf32>,
          %mul3A_466 = arith.mulf %get3A_463, %get3A_463 : vector<16xf32>
          %swap3A_467 = arith.index_cast %squeeze3A_456 : i32 to index
          %swap3A_468 = tpu.vector_load %arg16[%swap3A_467] {strides = array<i32>} : memref<4096xf32, #tpu.memory_space<vmem>>, vector<16xf32>,
          tpu.vector_store %arg16[%swap3A_467], %mul3A_466 {add = true, strides = array<i32>} : memref<4096xf32, #tpu.memory_space<vmem>>, vector<16xf32>,
          %get3A_469 = arith.index_cast %squeeze3A_456 : i32 to index
          %get3A_470 = tpu.vector_load %arg24[%get3A_469] {strides = array<i32>} : memref<4096xf32, #tpu.memory_space<vmem>>, vector<16xf32>,
          %max3A_471 = arith.maximumf %get3A_470, %get3A_463 : vector<16xf32>
          %swap3A_472 = arith.index_cast %squeeze3A_456 : i32 to index
          %swap3A_473 = tpu.vector_load %arg24[%swap3A_472] {strides = array<i32>} : memref<4096xf32, #tpu.memory_space<vmem>>, vector<16xf32>,
          tpu.vector_store %arg24[%swap3A_472], %max3A_471 {strides = array<i32>} : memref<4096xf32, #tpu.memory_space<vmem>>, vector<16xf32>,
          %get3A_474 = arith.index_cast %squeeze3A_456 : i32 to index
          %get3A_475 = tpu.vector_load %arg32[%get3A_474] {strides = array<i32>} : memref<4096xf32, #tpu.memory_space<vmem>>, vector<16xf32>,
          %min3A_476 = arith.minimumf %get3A_475, %get3A_463 : vector<16xf32>
          %swap3A_477 = arith.index_cast %squeeze3A_456 : i32 to index
          %swap3A_478 = tpu.vector_load %arg32[%swap3A_477] {strides = array<i32>} : memref<4096xf32, #tpu.memory_space<vmem>>, vector<16xf32>,
          tpu.vector_store %arg32[%swap3A_477], %min3A_476 {strides = array<i32>} : memref<4096xf32, #tpu.memory_space<vmem>>, vector<16xf32>,
          %slice3A_479 = vector.extract_strided_slice %shift_left3A_123 {offsets = [15], sizes = [1], strides = [1]} : vector<16xi32> to vector<1xi32>
          %squeeze3A_480 = vector.extract %slice3A_479[0] : i32 from vector<1xi32>
          %mul3A_481 = arith.constant 2 : i32
          %mul3A_482 = arith.muli %mul3A_481, %add3A_107 : i32
          %add3A_483 = arith.constant 1 : i32
          %add3A_484 = arith.addi %mul3A_482, %add3A_483 : i32
          %get3A_485 = arith.index_cast %add3A_484 : i32 to index
          %get3A_486 = arith.constant 112 : index
          %get3A_487 = tpu.vector_load %arg14[%get3A_485, %get3A_486] {strides = array<i32>} : memref<64x128xf32, #tpu.memory_space<vmem>>, vector<16xf32>,
          %swap3A_488 = arith.index_cast %squeeze3A_480 : i32 to index
          %swap3A_489 = tpu.vector_load %arg15[%swap3A_488] {strides = array<i32>} : memref<4096xf32, #tpu.memory_space<vmem>>, vector<16xf32>,
          tpu.vector_store %arg15[%swap3A_488], %get3A_487 {add = true, strides = array<i32>} : memref<4096xf32, #tpu.memory_space<vmem>>, vector<16xf32>,
          %mul3A_490 = arith.mulf %get3A_487, %get3A_487 : vector<16xf32>
          %swap3A_491 = arith.index_cast %squeeze3A_480 : i32 to index
          %swap3A_492 = tpu.vector_load %arg16[%swap3A_491] {strides = array<i32>} : memref<4096xf32, #tpu.memory_space<vmem>>, vector<16xf32>,
          tpu.vector_store %arg16[%swap3A_491], %mul3A_490 {add = true, strides = array<i32>} : memref<4096xf32, #tpu.memory_space<vmem>>, vector<16xf32>,
          %get3A_493 = arith.index_cast %squeeze3A_480 : i32 to index
          %get3A_494 = tpu.vector_load %arg25[%get3A_493] {strides = array<i32>} : memref<4096xf32, #tpu.memory_space<vmem>>, vector<16xf32>,
          %max3A_495 = arith.maximumf %get3A_494, %get3A_487 : vector<16xf32>
          %swap3A_496 = arith.index_cast %squeeze3A_480 : i32 to index
          %swap3A_497 = tpu.vector_load %arg25[%swap3A_496] {strides = array<i32>} : memref<4096xf32, #tpu.memory_space<vmem>>, vector<16xf32>,
          tpu.vector_store %arg25[%swap3A_496], %max3A_495 {strides = array<i32>} : memref<4096xf32, #tpu.memory_space<vmem>>, vector<16xf32>,
          %get3A_498 = arith.index_cast %squeeze3A_480 : i32 to index
          %get3A_499 = tpu.vector_load %arg33[%get3A_498] {strides = array<i32>} : memref<4096xf32, #tpu.memory_space<vmem>>, vector<16xf32>,
          %min3A_500 = arith.minimumf %get3A_499, %get3A_487 : vector<16xf32>
          %swap3A_501 = arith.index_cast %squeeze3A_480 : i32 to index
          %swap3A_502 = tpu.vector_load %arg33[%swap3A_501] {strides = array<i32>} : memref<4096xf32, #tpu.memory_space<vmem>>, vector<16xf32>,
          tpu.vector_store %arg33[%swap3A_501], %min3A_500 {strides = array<i32>} : memref<4096xf32, #tpu.memory_space<vmem>>, vector<16xf32>,
        }
        %scan3A_102 = arith.constant 32 : i32
      } else {
      }
      %add3A_77 = arith.constant 1 : i32
      %add3A_78 = arith.addi %add3A_44, %add3A_77 : i32
      %add3A_79 = arith.constant 2 : i32
      %add3A_80 = arith.addi %add3A_78, %add3A_79 : i32
      %mul3A_81 = arith.constant 32 : i32
      %mul3A_82 = arith.muli %mul3A_81, %add3A_80 : i32
      %add3A_83 = arith.addi %add3A, %mul3A_82 : i32
      %lt3A_84 = arith.constant 6250 : i32
      %lt3A_85 = arith.cmpi slt, %add3A_83, %lt3A_84 : i32
      %convert_element_type3A_86 = arith.extui %lt3A_85 : i1 to i32
      %cond3A_87 = arith.constant 0 : i32
      %cond3A_88 = arith.cmpi ne, %convert_element_type3A_86, %cond3A_87 : i32
      scf.if %cond3A_88 {
        %mul3A_89 = arith.constant 512 : i32
        %mul3A_90 = arith.muli %add3A_83, %mul3A_89 : i32
        %dma_start3A_91 = tpu.memref_slice %arg2[%mul3A_90] : memref<3200000xi32, #tpu.memory_space<hbm>> -> memref<512xi32, #tpu.memory_space<hbm>>
        %dma_start3A_92 = tpu.memref_slice %arg2[%mul3A_90] : memref<3200000xi32, #tpu.memory_space<hbm>> -> memref<512xi32, #tpu.memory_space<hbm>>
        tpu.enqueue_dma source(%dma_start3A_92 : memref<512xi32, #tpu.memory_space<hbm>>) target(%arg12 : memref<512xi32, #tpu.memory_space<vmem>>) target_semaphore(%arg36 : memref<!tpu.dma_semaphore, #tpu.memory_space<semaphore_mem>>)
        %mul3A_93 = arith.constant 64 : i32
        %mul3A_94 = arith.muli %add3A_83, %mul3A_93 : i32
        %dma_start3A_95 = arith.constant 0 : i32
        %dma_start3A_96 = tpu.memref_slice %arg3[%mul3A_94, %dma_start3A_95] : memref<400000x128xf32, #tpu.memory_space<hbm>> -> memref<64x128xf32, #tpu.memory_space<hbm>>
        %dma_start3A_97 = arith.constant 0 : i32
        %dma_start3A_98 = tpu.memref_slice %arg3[%mul3A_94, %dma_start3A_97] : memref<400000x128xf32, #tpu.memory_space<hbm>> -> memref<64x128xf32, #tpu.memory_space<hbm>>
        tpu.enqueue_dma source(%dma_start3A_98 : memref<64x128xf32, #tpu.memory_space<hbm>>) target(%arg14 : memref<64x128xf32, #tpu.memory_space<vmem>>) target_semaphore(%arg37 : memref<!tpu.dma_semaphore, #tpu.memory_space<semaphore_mem>>)
      } else {
      }
    }
    %scan3A_34 = arith.constant 98 : i32
    %scan3A_35 = arith.constant 0 : i32
    %scan3A_36 = arith.constant 256 : i32
    %scan3A_37 = arith.addi %scan3A_35, %scan3A_36 : i32
    %scan3A_38 = arith.constant 1 : i32
    scf.for %scan3A_40 = %scan3A_35 to %scan3A_37 step %scan3A_38  : i32 {
      %mul3A_41 = arith.constant 1 : i32
      %mul3A_42 = arith.muli %scan3A_40, %mul3A_41 : i32
      %add3A_43 = arith.constant 0 : i32
      %add3A_44 = arith.addi %add3A_43, %mul3A_42 : i32
      %mul3A_45 = arith.constant 16 : i32
      %mul3A_46 = arith.muli %add3A_44, %mul3A_45 : i32
      %get3A = arith.index_cast %mul3A_46 : i32 to index
      %get3A_47 = tpu.vector_load %arg18[%get3A] {strides = array<i32>} : memref<4096xf32, #tpu.memory_space<vmem>>, vector<16xf32>,
      %get3A_48 = arith.index_cast %mul3A_46 : i32 to index
      %get3A_49 = tpu.vector_load %arg26[%get3A_48] {strides = array<i32>} : memref<4096xf32, #tpu.memory_space<vmem>>, vector<16xf32>,
      %get3A_50 = arith.index_cast %mul3A_46 : i32 to index
      %get3A_51 = tpu.vector_load %arg19[%get3A_50] {strides = array<i32>} : memref<4096xf32, #tpu.memory_space<vmem>>, vector<16xf32>,
      %max3A = arith.maximumf %get3A_47, %get3A_51 : vector<16xf32>
      %get3A_52 = arith.index_cast %mul3A_46 : i32 to index
      %get3A_53 = tpu.vector_load %arg27[%get3A_52] {strides = array<i32>} : memref<4096xf32, #tpu.memory_space<vmem>>, vector<16xf32>,
      %min3A = arith.minimumf %get3A_49, %get3A_53 : vector<16xf32>
      %get3A_54 = arith.index_cast %mul3A_46 : i32 to index
      %get3A_55 = tpu.vector_load %arg20[%get3A_54] {strides = array<i32>} : memref<4096xf32, #tpu.memory_space<vmem>>, vector<16xf32>,
      %max3A_56 = arith.maximumf %max3A, %get3A_55 : vector<16xf32>
      %get3A_57 = arith.index_cast %mul3A_46 : i32 to index
      %get3A_58 = tpu.vector_load %arg28[%get3A_57] {strides = array<i32>} : memref<4096xf32, #tpu.memory_space<vmem>>, vector<16xf32>,
      %min3A_59 = arith.minimumf %min3A, %get3A_58 : vector<16xf32>
      %get3A_60 = arith.index_cast %mul3A_46 : i32 to index
      %get3A_61 = tpu.vector_load %arg21[%get3A_60] {strides = array<i32>} : memref<4096xf32, #tpu.memory_space<vmem>>, vector<16xf32>,
      %max3A_62 = arith.maximumf %max3A_56, %get3A_61 : vector<16xf32>
      %get3A_63 = arith.index_cast %mul3A_46 : i32 to index
      %get3A_64 = tpu.vector_load %arg29[%get3A_63] {strides = array<i32>} : memref<4096xf32, #tpu.memory_space<vmem>>, vector<16xf32>,
      %min3A_65 = arith.minimumf %min3A_59, %get3A_64 : vector<16xf32>
      %get3A_66 = arith.index_cast %mul3A_46 : i32 to index
      %get3A_67 = tpu.vector_load %arg22[%get3A_66] {strides = array<i32>} : memref<4096xf32, #tpu.memory_space<vmem>>, vector<16xf32>,
      %max3A_68 = arith.maximumf %max3A_62, %get3A_67 : vector<16xf32>
      %get3A_69 = arith.index_cast %mul3A_46 : i32 to index
      %get3A_70 = tpu.vector_load %arg30[%get3A_69] {strides = array<i32>} : memref<4096xf32, #tpu.memory_space<vmem>>, vector<16xf32>,
      %min3A_71 = arith.minimumf %min3A_65, %get3A_70 : vector<16xf32>
      %get3A_72 = arith.index_cast %mul3A_46 : i32 to index
      %get3A_73 = tpu.vector_load %arg23[%get3A_72] {strides = array<i32>} : memref<4096xf32, #tpu.memory_space<vmem>>, vector<16xf32>,
      %max3A_74 = arith.maximumf %max3A_68, %get3A_73 : vector<16xf32>
      %get3A_75 = arith.index_cast %mul3A_46 : i32 to index
      %get3A_76 = tpu.vector_load %arg31[%get3A_75] {strides = array<i32>} : memref<4096xf32, #tpu.memory_space<vmem>>, vector<16xf32>,
      %min3A_77 = arith.minimumf %min3A_71, %get3A_76 : vector<16xf32>
      %get3A_78 = arith.index_cast %mul3A_46 : i32 to index
      %get3A_79 = tpu.vector_load %arg24[%get3A_78] {strides = array<i32>} : memref<4096xf32, #tpu.memory_space<vmem>>, vector<16xf32>,
      %max3A_80 = arith.maximumf %max3A_74, %get3A_79 : vector<16xf32>
      %get3A_81 = arith.index_cast %mul3A_46 : i32 to index
      %get3A_82 = tpu.vector_load %arg32[%get3A_81] {strides = array<i32>} : memref<4096xf32, #tpu.memory_space<vmem>>, vector<16xf32>,
      %min3A_83 = arith.minimumf %min3A_77, %get3A_82 : vector<16xf32>
      %get3A_84 = arith.index_cast %mul3A_46 : i32 to index
      %get3A_85 = tpu.vector_load %arg25[%get3A_84] {strides = array<i32>} : memref<4096xf32, #tpu.memory_space<vmem>>, vector<16xf32>,
      %max3A_86 = arith.maximumf %max3A_80, %get3A_85 : vector<16xf32>
      %get3A_87 = arith.index_cast %mul3A_46 : i32 to index
      %get3A_88 = tpu.vector_load %arg33[%get3A_87] {strides = array<i32>} : memref<4096xf32, #tpu.memory_space<vmem>>, vector<16xf32>,
      %min3A_89 = arith.minimumf %min3A_83, %get3A_88 : vector<16xf32>
      %swap3A = arith.index_cast %mul3A_46 : i32 to index
      %swap3A_90 = tpu.vector_load %arg18[%swap3A] {strides = array<i32>} : memref<4096xf32, #tpu.memory_space<vmem>>, vector<16xf32>,
      tpu.vector_store %arg18[%swap3A], %max3A_86 {strides = array<i32>} : memref<4096xf32, #tpu.memory_space<vmem>>, vector<16xf32>,
      %swap3A_91 = arith.index_cast %mul3A_46 : i32 to index
      %swap3A_92 = tpu.vector_load %arg26[%swap3A_91] {strides = array<i32>} : memref<4096xf32, #tpu.memory_space<vmem>>, vector<16xf32>,
      tpu.vector_store %arg26[%swap3A_91], %min3A_89 {strides = array<i32>} : memref<4096xf32, #tpu.memory_space<vmem>>, vector<16xf32>,
    }
    %scan3A_39 = arith.constant 256 : i32
    "tpu.region"() ({
      %run_scoped3A = tpu.sem_alloc : memref<!tpu.dma_semaphore, #tpu.memory_space<semaphore_mem>>
      %dma_start3A_40 = arith.constant 0 : i32
      %dma_start3A_41 = tpu.memref_slice %arg5[%add3A, %dma_start3A_40] : memref<32x4096xf32, #tpu.memory_space<hbm>> -> memref<1x4096xf32, #tpu.memory_space<hbm>>
      %dma_start3A_42 = tpu.memref_squeeze %dma_start3A_41 : memref<1x4096xf32, #tpu.memory_space<hbm>> -> memref<4096xf32, #tpu.memory_space<hbm>>
      %dma_start3A_43 = arith.constant 0 : i32
      %dma_start3A_44 = tpu.memref_slice %arg5[%add3A, %dma_start3A_43] : memref<32x4096xf32, #tpu.memory_space<hbm>> -> memref<1x4096xf32, #tpu.memory_space<hbm>>
      %dma_start3A_45 = tpu.memref_squeeze %dma_start3A_44 : memref<1x4096xf32, #tpu.memory_space<hbm>> -> memref<4096xf32, #tpu.memory_space<hbm>>
      tpu.enqueue_dma source(%arg15 : memref<4096xf32, #tpu.memory_space<vmem>>) target(%dma_start3A_45 : memref<4096xf32, #tpu.memory_space<hbm>>) target_semaphore(%run_scoped3A : memref<!tpu.dma_semaphore, #tpu.memory_space<semaphore_mem>>)
      %dma_wait3A = arith.constant 0 : i32
      %dma_wait3A_46 = tpu.memref_slice %arg5[%add3A, %dma_wait3A] : memref<32x4096xf32, #tpu.memory_space<hbm>> -> memref<1x4096xf32, #tpu.memory_space<hbm>>
      %dma_wait3A_47 = tpu.memref_squeeze %dma_wait3A_46 : memref<1x4096xf32, #tpu.memory_space<hbm>> -> memref<4096xf32, #tpu.memory_space<hbm>>
      %dma_wait3A_48 = arith.constant 0 : i32
      %dma_wait3A_49 = tpu.memref_slice %arg5[%add3A, %dma_wait3A_48] : memref<32x4096xf32, #tpu.memory_space<hbm>> -> memref<1x4096xf32, #tpu.memory_space<hbm>>
      %dma_wait3A_50 = tpu.memref_squeeze %dma_wait3A_49 : memref<1x4096xf32, #tpu.memory_space<hbm>> -> memref<4096xf32, #tpu.memory_space<hbm>>
      tpu.wait_dma2 semaphore(%run_scoped3A : memref<!tpu.dma_semaphore, #tpu.memory_space<semaphore_mem>>) src(%arg15 : memref<4096xf32, #tpu.memory_space<vmem>>) dst(%dma_wait3A_50 : memref<4096xf32, #tpu.memory_space<hbm>>)
      tpu.yield
    }) : () -> ()
    "tpu.region"() ({
      %run_scoped3A = tpu.sem_alloc : memref<!tpu.dma_semaphore, #tpu.memory_space<semaphore_mem>>
      %dma_start3A_40 = arith.constant 0 : i32
      %dma_start3A_41 = tpu.memref_slice %arg6[%add3A, %dma_start3A_40] : memref<32x4096xf32, #tpu.memory_space<hbm>> -> memref<1x4096xf32, #tpu.memory_space<hbm>>
      %dma_start3A_42 = tpu.memref_squeeze %dma_start3A_41 : memref<1x4096xf32, #tpu.memory_space<hbm>> -> memref<4096xf32, #tpu.memory_space<hbm>>
      %dma_start3A_43 = arith.constant 0 : i32
      %dma_start3A_44 = tpu.memref_slice %arg6[%add3A, %dma_start3A_43] : memref<32x4096xf32, #tpu.memory_space<hbm>> -> memref<1x4096xf32, #tpu.memory_space<hbm>>
      %dma_start3A_45 = tpu.memref_squeeze %dma_start3A_44 : memref<1x4096xf32, #tpu.memory_space<hbm>> -> memref<4096xf32, #tpu.memory_space<hbm>>
      tpu.enqueue_dma source(%arg16 : memref<4096xf32, #tpu.memory_space<vmem>>) target(%dma_start3A_45 : memref<4096xf32, #tpu.memory_space<hbm>>) target_semaphore(%run_scoped3A : memref<!tpu.dma_semaphore, #tpu.memory_space<semaphore_mem>>)
      %dma_wait3A = arith.constant 0 : i32
      %dma_wait3A_46 = tpu.memref_slice %arg6[%add3A, %dma_wait3A] : memref<32x4096xf32, #tpu.memory_space<hbm>> -> memref<1x4096xf32, #tpu.memory_space<hbm>>
      %dma_wait3A_47 = tpu.memref_squeeze %dma_wait3A_46 : memref<1x4096xf32, #tpu.memory_space<hbm>> -> memref<4096xf32, #tpu.memory_space<hbm>>
      %dma_wait3A_48 = arith.constant 0 : i32
      %dma_wait3A_49 = tpu.memref_slice %arg6[%add3A, %dma_wait3A_48] : memref<32x4096xf32, #tpu.memory_space<hbm>> -> memref<1x4096xf32, #tpu.memory_space<hbm>>
      %dma_wait3A_50 = tpu.memref_squeeze %dma_wait3A_49 : memref<1x4096xf32, #tpu.memory_space<hbm>> -> memref<4096xf32, #tpu.memory_space<hbm>>
      tpu.wait_dma2 semaphore(%run_scoped3A : memref<!tpu.dma_semaphore, #tpu.memory_space<semaphore_mem>>) src(%arg16 : memref<4096xf32, #tpu.memory_space<vmem>>) dst(%dma_wait3A_50 : memref<4096xf32, #tpu.memory_space<hbm>>)
      tpu.yield
    }) : () -> ()
    "tpu.region"() ({
      %run_scoped3A = tpu.sem_alloc : memref<!tpu.dma_semaphore, #tpu.memory_space<semaphore_mem>>
      %dma_start3A_40 = arith.constant 0 : i32
      %dma_start3A_41 = tpu.memref_slice %arg7[%add3A, %dma_start3A_40] : memref<32x4096xf32, #tpu.memory_space<hbm>> -> memref<1x4096xf32, #tpu.memory_space<hbm>>
      %dma_start3A_42 = tpu.memref_squeeze %dma_start3A_41 : memref<1x4096xf32, #tpu.memory_space<hbm>> -> memref<4096xf32, #tpu.memory_space<hbm>>
      %dma_start3A_43 = arith.constant 0 : i32
      %dma_start3A_44 = tpu.memref_slice %arg7[%add3A, %dma_start3A_43] : memref<32x4096xf32, #tpu.memory_space<hbm>> -> memref<1x4096xf32, #tpu.memory_space<hbm>>
      %dma_start3A_45 = tpu.memref_squeeze %dma_start3A_44 : memref<1x4096xf32, #tpu.memory_space<hbm>> -> memref<4096xf32, #tpu.memory_space<hbm>>
      tpu.enqueue_dma source(%arg18 : memref<4096xf32, #tpu.memory_space<vmem>>) target(%dma_start3A_45 : memref<4096xf32, #tpu.memory_space<hbm>>) target_semaphore(%run_scoped3A : memref<!tpu.dma_semaphore, #tpu.memory_space<semaphore_mem>>)
      %dma_wait3A = arith.constant 0 : i32
      %dma_wait3A_46 = tpu.memref_slice %arg7[%add3A, %dma_wait3A] : memref<32x4096xf32, #tpu.memory_space<hbm>> -> memref<1x4096xf32, #tpu.memory_space<hbm>>
      %dma_wait3A_47 = tpu.memref_squeeze %dma_wait3A_46 : memref<1x4096xf32, #tpu.memory_space<hbm>> -> memref<4096xf32, #tpu.memory_space<hbm>>
      %dma_wait3A_48 = arith.constant 0 : i32
      %dma_wait3A_49 = tpu.memref_slice %arg7[%add3A, %dma_wait3A_48] : memref<32x4096xf32, #tpu.memory_space<hbm>> -> memref<1x4096xf32, #tpu.memory_space<hbm>>
      %dma_wait3A_50 = tpu.memref_squeeze %dma_wait3A_49 : memref<1x4096xf32, #tpu.memory_space<hbm>> -> memref<4096xf32, #tpu.memory_space<hbm>>
      tpu.wait_dma2 semaphore(%run_scoped3A : memref<!tpu.dma_semaphore, #tpu.memory_space<semaphore_mem>>) src(%arg18 : memref<4096xf32, #tpu.memory_space<vmem>>) dst(%dma_wait3A_50 : memref<4096xf32, #tpu.memory_space<hbm>>)
      tpu.yield
    }) : () -> ()
    "tpu.region"() ({
      %run_scoped3A = tpu.sem_alloc : memref<!tpu.dma_semaphore, #tpu.memory_space<semaphore_mem>>
      %dma_start3A_40 = arith.constant 0 : i32
      %dma_start3A_41 = tpu.memref_slice %arg8[%add3A, %dma_start3A_40] : memref<32x4096xf32, #tpu.memory_space<hbm>> -> memref<1x4096xf32, #tpu.memory_space<hbm>>
      %dma_start3A_42 = tpu.memref_squeeze %dma_start3A_41 : memref<1x4096xf32, #tpu.memory_space<hbm>> -> memref<4096xf32, #tpu.memory_space<hbm>>
      %dma_start3A_43 = arith.constant 0 : i32
      %dma_start3A_44 = tpu.memref_slice %arg8[%add3A, %dma_start3A_43] : memref<32x4096xf32, #tpu.memory_space<hbm>> -> memref<1x4096xf32, #tpu.memory_space<hbm>>
      %dma_start3A_45 = tpu.memref_squeeze %dma_start3A_44 : memref<1x4096xf32, #tpu.memory_space<hbm>> -> memref<4096xf32, #tpu.memory_space<hbm>>
      tpu.enqueue_dma source(%arg26 : memref<4096xf32, #tpu.memory_space<vmem>>) target(%dma_start3A_45 : memref<4096xf32, #tpu.memory_space<hbm>>) target_semaphore(%run_scoped3A : memref<!tpu.dma_semaphore, #tpu.memory_space<semaphore_mem>>)
      %dma_wait3A = arith.constant 0 : i32
      %dma_wait3A_46 = tpu.memref_slice %arg8[%add3A, %dma_wait3A] : memref<32x4096xf32, #tpu.memory_space<hbm>> -> memref<1x4096xf32, #tpu.memory_space<hbm>>
      %dma_wait3A_47 = tpu.memref_squeeze %dma_wait3A_46 : memref<1x4096xf32, #tpu.memory_space<hbm>> -> memref<4096xf32, #tpu.memory_space<hbm>>
      %dma_wait3A_48 = arith.constant 0 : i32
      %dma_wait3A_49 = tpu.memref_slice %arg8[%add3A, %dma_wait3A_48] : memref<32x4096xf32, #tpu.memory_space<hbm>> -> memref<1x4096xf32, #tpu.memory_space<hbm>>
      %dma_wait3A_50 = tpu.memref_squeeze %dma_wait3A_49 : memref<1x4096xf32, #tpu.memory_space<hbm>> -> memref<4096xf32, #tpu.memory_space<hbm>>
      tpu.wait_dma2 semaphore(%run_scoped3A : memref<!tpu.dma_semaphore, #tpu.memory_space<semaphore_mem>>) src(%arg26 : memref<4096xf32, #tpu.memory_space<vmem>>) dst(%dma_wait3A_50 : memref<4096xf32, #tpu.memory_space<hbm>>)
      tpu.yield
    }) : () -> ()
    "tpu.region"() ({
      %run_scoped3A = tpu.sem_alloc : memref<!tpu.dma_semaphore, #tpu.memory_space<semaphore_mem>>
      %dma_start3A_40 = arith.constant 0 : i32
      %dma_start3A_41 = tpu.memref_slice %arg9[%add3A, %dma_start3A_40] : memref<32x256xf32, #tpu.memory_space<hbm>> -> memref<1x256xf32, #tpu.memory_space<hbm>>
      %dma_start3A_42 = tpu.memref_squeeze %dma_start3A_41 : memref<1x256xf32, #tpu.memory_space<hbm>> -> memref<256xf32, #tpu.memory_space<hbm>>
      %dma_start3A_43 = arith.constant 0 : i32
      %dma_start3A_44 = tpu.memref_slice %arg9[%add3A, %dma_start3A_43] : memref<32x256xf32, #tpu.memory_space<hbm>> -> memref<1x256xf32, #tpu.memory_space<hbm>>
      %dma_start3A_45 = tpu.memref_squeeze %dma_start3A_44 : memref<1x256xf32, #tpu.memory_space<hbm>> -> memref<256xf32, #tpu.memory_space<hbm>>
      tpu.enqueue_dma source(%arg17 : memref<256xf32, #tpu.memory_space<vmem>>) target(%dma_start3A_45 : memref<256xf32, #tpu.memory_space<hbm>>) target_semaphore(%run_scoped3A : memref<!tpu.dma_semaphore, #tpu.memory_space<semaphore_mem>>)
      %dma_wait3A = arith.constant 0 : i32
      %dma_wait3A_46 = tpu.memref_slice %arg9[%add3A, %dma_wait3A] : memref<32x256xf32, #tpu.memory_space<hbm>> -> memref<1x256xf32, #tpu.memory_space<hbm>>
      %dma_wait3A_47 = tpu.memref_squeeze %dma_wait3A_46 : memref<1x256xf32, #tpu.memory_space<hbm>> -> memref<256xf32, #tpu.memory_space<hbm>>
      %dma_wait3A_48 = arith.constant 0 : i32
      %dma_wait3A_49 = tpu.memref_slice %arg9[%add3A, %dma_wait3A_48] : memref<32x256xf32, #tpu.memory_space<hbm>> -> memref<1x256xf32, #tpu.memory_space<hbm>>
      %dma_wait3A_50 = tpu.memref_squeeze %dma_wait3A_49 : memref<1x256xf32, #tpu.memory_space<hbm>> -> memref<256xf32, #tpu.memory_space<hbm>>
      tpu.wait_dma2 semaphore(%run_scoped3A : memref<!tpu.dma_semaphore, #tpu.memory_space<semaphore_mem>>) src(%arg17 : memref<256xf32, #tpu.memory_space<vmem>>) dst(%dma_wait3A_50 : memref<256xf32, #tpu.memory_space<hbm>>)
      tpu.yield
    }) : () -> ()
    return
  }
}

module attributes {stable_mosaic.version = 14 : i64} {
  func.func @_finale_body(%arg0: memref<32x256x16xf32, #tpu.memory_space<vmem>>, %arg1: memref<32x256x16xf32, #tpu.memory_space<vmem>>, %arg2: memref<32x256x16xf32, #tpu.memory_space<vmem>>, %arg3: memref<32x256x16xf32, #tpu.memory_space<vmem>>, %arg4: memref<32x256xf32, #tpu.memory_space<vmem>>, %arg5: memref<64x16xf32, #tpu.memory_space<vmem>>, %arg6: memref<64x16xf32, #tpu.memory_space<vmem>>, %arg7: memref<64x16xf32, #tpu.memory_space<vmem>>, %arg8: memref<64x16xf32, #tpu.memory_space<vmem>>, %arg9: memref<1x64xf32, #tpu.memory_space<vmem>>, %arg10: memref<256x64xf32, #tpu.memory_space<vmem>>) attributes {dimension_semantics = [], scalar_prefetch = 0 : i64, scratch_operands = 0 : i64, tpu.core_type = #tpu.core_type<tc>} {
    %get3A = arith.constant 0 : index
    %get3A_0 = arith.constant 0 : index
    %get3A_1 = arith.constant 0 : index
    %get3A_2 = vector.load %arg0[%get3A, %get3A_0, %get3A_1] : memref<32x256x16xf32, #tpu.memory_space<vmem>>, vector<32x256x16xf32>
    %reduce_sum3A = arith.constant dense<0.000000e+00> : vector<256x16xf32>
    %reduce_sum3A_3 = vector.multi_reduction <add>, %get3A_2, %reduce_sum3A [0] : vector<32x256x16xf32> to vector<256x16xf32>
    %get3A_4 = arith.constant 0 : index
    %get3A_5 = arith.constant 0 : index
    %get3A_6 = arith.constant 0 : index
    %get3A_7 = vector.load %arg1[%get3A_4, %get3A_5, %get3A_6] : memref<32x256x16xf32, #tpu.memory_space<vmem>>, vector<32x256x16xf32>
    %reduce_sum3A_8 = arith.constant dense<0.000000e+00> : vector<256x16xf32>
    %reduce_sum3A_9 = vector.multi_reduction <add>, %get3A_7, %reduce_sum3A_8 [0] : vector<32x256x16xf32> to vector<256x16xf32>
    %get3A_10 = arith.constant 0 : index
    %get3A_11 = arith.constant 0 : index
    %get3A_12 = arith.constant 0 : index
    %get3A_13 = vector.load %arg2[%get3A_10, %get3A_11, %get3A_12] : memref<32x256x16xf32, #tpu.memory_space<vmem>>, vector<32x256x16xf32>
    %reduce_max3A = arith.constant dense<0xFF800000> : vector<256x16xf32>
    %reduce_max3A_14 = vector.multi_reduction <maximumf>, %get3A_13, %reduce_max3A [0] : vector<32x256x16xf32> to vector<256x16xf32>
    %get3A_15 = arith.constant 0 : index
    %get3A_16 = arith.constant 0 : index
    %get3A_17 = arith.constant 0 : index
    %get3A_18 = vector.load %arg3[%get3A_15, %get3A_16, %get3A_17] : memref<32x256x16xf32, #tpu.memory_space<vmem>>, vector<32x256x16xf32>
    %reduce_min3A = arith.constant dense<0x7F800000> : vector<256x16xf32>
    %reduce_min3A_19 = vector.multi_reduction <minimumf>, %get3A_18, %reduce_min3A [0] : vector<32x256x16xf32> to vector<256x16xf32>
    %get3A_20 = arith.constant 0 : index
    %get3A_21 = arith.constant 0 : index
    %get3A_22 = vector.load %arg4[%get3A_20, %get3A_21] : memref<32x256xf32, #tpu.memory_space<vmem>>, vector<32x256xf32>
    %reduce_sum3A_23 = arith.constant dense<0.000000e+00> : vector<256xf32>
    %reduce_sum3A_24 = vector.multi_reduction <add>, %get3A_22, %reduce_sum3A_23 [0] : vector<32x256xf32> to vector<256xf32>
    %max3A = arith.constant 1.000000e+00 : f32
    %max3A_25 = vector.broadcast %max3A : f32 to vector<256xf32>
    %max3A_26 = arith.maximumf %reduce_sum3A_24, %max3A_25 : vector<256xf32>
    %broadcast_in_dim3A = vector.shape_cast %max3A_26 : vector<256xf32> to vector<256x1xf32>
    %div3A = vector.broadcast %broadcast_in_dim3A : vector<256x1xf32> to vector<256x16xf32>
    %div3A_27 = arith.divf %reduce_sum3A_3, %div3A : vector<256x16xf32>
    %div3A_28 = vector.broadcast %broadcast_in_dim3A : vector<256x1xf32> to vector<256x16xf32>
    %div3A_29 = arith.divf %reduce_sum3A_9, %div3A_28 : vector<256x16xf32>
    %mul3A = arith.mulf %div3A_27, %div3A_27 : vector<256x16xf32>
    %sub3A = arith.subf %div3A_29, %mul3A : vector<256x16xf32>
    %get3A_30 = arith.constant 0 : index
    %get3A_31 = arith.constant 0 : index
    %get3A_32 = vector.load %arg5[%get3A_30, %get3A_31] : memref<64x16xf32, #tpu.memory_space<vmem>>, vector<64x16xf32>
    %dot_general3A = arith.constant dense<0.000000e+00> : vector<256x64xf32>
    %dot_general3A_33 = tpu.matmul %div3A_27, %get3A_32, %dot_general3A {dimension_numbers = #tpu.dot_dimension_numbers<[1], [1], [0], [0], [0, 0, 1, 0], [], []>, transpose_lhs_hint = false} : vector<256x16xf32>, vector<64x16xf32>, vector<256x64xf32> -> vector<256x64xf32>
    %get3A_34 = arith.constant 0 : index
    %get3A_35 = arith.constant 0 : index
    %get3A_36 = vector.load %arg6[%get3A_34, %get3A_35] : memref<64x16xf32, #tpu.memory_space<vmem>>, vector<64x16xf32>
    %dot_general3A_37 = arith.constant dense<0.000000e+00> : vector<256x64xf32>
    %dot_general3A_38 = tpu.matmul %reduce_min3A_19, %get3A_36, %dot_general3A_37 {dimension_numbers = #tpu.dot_dimension_numbers<[1], [1], [0], [0], [0, 0, 1, 0], [], []>, transpose_lhs_hint = false} : vector<256x16xf32>, vector<64x16xf32>, vector<256x64xf32> -> vector<256x64xf32>
    %add3A = arith.addf %dot_general3A_33, %dot_general3A_38 : vector<256x64xf32>
    %get3A_39 = arith.constant 0 : index
    %get3A_40 = arith.constant 0 : index
    %get3A_41 = vector.load %arg7[%get3A_39, %get3A_40] : memref<64x16xf32, #tpu.memory_space<vmem>>, vector<64x16xf32>
    %dot_general3A_42 = arith.constant dense<0.000000e+00> : vector<256x64xf32>
    %dot_general3A_43 = tpu.matmul %reduce_max3A_14, %get3A_41, %dot_general3A_42 {dimension_numbers = #tpu.dot_dimension_numbers<[1], [1], [0], [0], [0, 0, 1, 0], [], []>, transpose_lhs_hint = false} : vector<256x16xf32>, vector<64x16xf32>, vector<256x64xf32> -> vector<256x64xf32>
    %add3A_44 = arith.addf %add3A, %dot_general3A_43 : vector<256x64xf32>
    %get3A_45 = arith.constant 0 : index
    %get3A_46 = arith.constant 0 : index
    %get3A_47 = vector.load %arg8[%get3A_45, %get3A_46] : memref<64x16xf32, #tpu.memory_space<vmem>>, vector<64x16xf32>
    %dot_general3A_48 = arith.constant dense<0.000000e+00> : vector<256x64xf32>
    %dot_general3A_49 = tpu.matmul %sub3A, %get3A_47, %dot_general3A_48 {dimension_numbers = #tpu.dot_dimension_numbers<[1], [1], [0], [0], [0, 0, 1, 0], [], []>, transpose_lhs_hint = false} : vector<256x16xf32>, vector<64x16xf32>, vector<256x64xf32> -> vector<256x64xf32>
    %add3A_50 = arith.addf %add3A_44, %dot_general3A_49 : vector<256x64xf32>
    %get3A_51 = arith.constant 0 : index
    %get3A_52 = arith.constant 0 : index
    %get3A_53 = vector.load %arg9[%get3A_51, %get3A_52] : memref<1x64xf32, #tpu.memory_space<vmem>>, vector<1x64xf32>
    %add3A_54 = vector.broadcast %get3A_53 : vector<1x64xf32> to vector<256x64xf32>
    %add3A_55 = arith.addf %add3A_50, %add3A_54 : vector<256x64xf32>
    %swap3A = arith.constant 0 : index
    %swap3A_56 = arith.constant 0 : index
    %swap3A_57 = vector.load %arg10[%swap3A, %swap3A_56] : memref<256x64xf32, #tpu.memory_space<vmem>>, vector<256x64xf32>
    tpu.vector_store %arg10[%swap3A, %swap3A_56], %add3A_55 {strides = array<i32>} : memref<256x64xf32, #tpu.memory_space<vmem>>, vector<256x64xf32>,
    return
  }
}

</mosaic_0001>

<sc_bundles>
// kernel: kernel.4.cloned.1.call-start
scs
__scs_entry_jumppad:
0x0: {  	(pc) =	sbr.rel $0x88, $3  }
0x1: {  	(tag) =	ssettag $0x0;
	lr =	simm.s32 $0x1  }
0x2: {  	[smem:$0x3F9C] =	sst lr;
	_ =	strace $0xD0000000  }
0x3: {  	_ = 	snop  }
0x4: {  	_ = 	snop  }
0x5: {  	_ = 	snop  }
0x6: {  	_ = 	snop  }
0x7: {  	_ = 	snop  }
__scs_overlays_trampoline_lowered:
0x8: {  	[smem:$0x3FAB] =	sst s0  }
0x9: {  	[smem:$0x3FAC] =	sst s1  }
0xa: {  	[smem:$0x3FAD] =	sst s2  }
0xb: {  	[smem:$0x3FAE] =	sst s3  }
0xc: {  	[smem:$0x3FAF] =	sst s4  }
0xd: {  	[smem:$0x3FB0] =	sst s5  }
0xe: {  	[smem:$0x3FB1] =	sst s6  }
0xf: {  	[smem:$0x3FB2] =	sst s7  }
0x10: {  	[smem:$0x3FB3] =	sst s8  }
0x11: {  	[smem:$0x3FB4] =	sst s9;
	s0 =	simm.s32 @!p0 $0x0  }
0x12: {  	s1 =	sld [smem:$0x3F9A];
	s0 =	simm.s32 @p0 $0x1  }
0x13: {  	[smem:$0x3FB5] =	sst s0;
	s0 =	simm.s32 @!p1 $0x0  }
0x14: {  	s2 =	sld [smem:$0x3F99];
	s0 =	simm.s32 @p1 $0x1  }
0x15: {  	[smem:$0x3FB6] =	sst s0;
	s0 =	simm.s32 @!p2 $0x0  }
0x16: {  	s3 =	sld [smem:$0x3FDB];
	s0 =	simm.s32 @p2 $0x1  }
0x17: {  	s4 =	simm.s32 $0x1BF5;
	[smem:$0x3FB8] =	sst s0  }
0x18: {  	s0 =	sld [smem:$0x3F9B];
	_ =	swait.ge [sflag:s4], $0x0  }
0x19: {  	s7 =	sld [smem:$0x3F9C]  }
0x1a: {  	s8 =	sadd.s32 $0xFFFFE003, lr  }
0x1b: {  	s9 =	sadd.s32 $0xFFFFFEF7, lr;
	s5 =	simm.s32 $0xFFFFFFFF;
	p2 =	slt.u32 s8, $0xFFFFF086  }
0x1c: {  	p1 =	slt.u32 s9, $0xF7A;
	s5 =	simm.s32 @!p2 $0x0  }
0x1d: {  	s5 =	simm.s32 @p1 $0x1;
	p0 =	seq.s32 s7, s2  }
0x1e: {  	s7 =	smul.u32 @!p0 $0xF7A, s2;
	p2 =	seq.s32 @!p0 s5, $0x0  }
0x1f: {  	s9 =	smul.u32 $0xF7A, s1;
	s8 =	simm.s32 @!p0 $0x1BF5;
	p2 =	por !p2, p0  }
0x20: {  	[sflag:s8] =	ssyncset.s32 @!p0 $0xFFFFF086;
	s6 =	sadd.s32 @!p0 s3, s7;
	s7 =	simm.s32 @!p0 $0x108  }
0x21: {  	s3 =	sadd.s32 s3, s9;
	s6 =	sadd.s32 @!p0 $0x88, s6;
	s7 =	simm.s32 @p2 $0x1082  }
0x22: {  	[simem:s7], [sflag:s8] =	dma.local @!p0 [hbm:s6], $0xF7A  }
0x23: {  	s9 =	sor.u32 $0xD0000000, s2;
	s6 =	simm.s32 $0x108;
	_ =	swait.ge @!p0 [sflag:s8], $0x0  }
0x24: {  	s3 =	sadd.s32 $0x88, s3;
	s6 =	simm.s32 @!p1 $0x1082;
	[sflag:s4] =	ssyncset.s32 $0xFFFFF086  }
0x25: {  	[simem:s6], [sflag:s4] =	dma.local [hbm:s3], $0xF7A  }
0x26: {  	[smem:$0x3F9C] =	sst s1;
	(tag) =	ssettag s2;
	_ =	strace s9  }
0x27: {  	s1 =	sld [smem:$0x3FAC]  }
0x28: {  	s2 =	sld [smem:$0x3FAD]  }
0x29: {  	s4 =	sld [smem:$0x3FAF]  }
0x2a: {  	p0 =	seq.s32 s5, $0x0;
	s5 =	sld [smem:$0x3FB0]  }
0x2b: {  	s6 =	sld [smem:$0x3FB1]  }
0x2c: {  	s7 =	sld [smem:$0x3FB2]  }
0x2d: {  	s3 =	simm.s32 $0x108;
	s8 =	sld [smem:$0x3FB3]  }
0x2e: {  	s3 =	simm.s32 @!p0 $0x1082;
	s9 =	sld [smem:$0x3FB4]  }
0x2f: {  	lr =	sadd.s32 s0, s3;
	s0 =	sld [smem:$0x3FAB]  }
0x30: {  	s3 =	sld [smem:$0x3FAE]  }
0x31: {  	[smem:$0x3FB7] =	sst s10  }
0x32: {  	s10 =	sld [smem:$0x3FB5];
	_ =	sdelay $0x3  }
0x33: {  	p0 =	seq.s32 s10, $0x1;
	s10 =	sld [smem:$0x3FB7];
	_ =	sdelay $0x3  }
0x34: {  	[smem:$0x3FB7] =	sst s10  }
0x35: {  	s10 =	sld [smem:$0x3FB6];
	_ =	sdelay $0x3  }
0x36: {  	p1 =	seq.s32 s10, $0x1;
	s10 =	sld [smem:$0x3FB7];
	_ =	sdelay $0x3  }
0x37: {  	[smem:$0x3FB7] =	sst s10  }
0x38: {  	s10 =	sld [smem:$0x3FB8]  }
0x39: {  	_ = 	snop;
	(pc) =	sbr.ind lr, $3  }
0x3a: {  	_ = 	snop  }
0x3b: {  	_ = 	snop  }
0x3c: {  	p2 =	seq.s32 s10, $0x1;
	s10 =	sld [smem:$0x3FB7]  }
0x3d: {  	_ =	shalt  }
0x3e: {  	_ =	shalt  }
0x3f: {  	_ =	shalt  }
0x40: {  	_ =	shalt  }
0x41: {  	_ =	shalt  }
0x42: {  	_ =	shalt  }
0x43: {  	_ =	shalt  }
0x44: {  	_ =	shalt  }
0x45: {  	_ =	shalt  }
0x46: {  	_ =	shalt  }
0x47: {  	_ =	shalt  }
0x48: {  	_ =	shalt  }
0x49: {  	_ =	shalt  }
0x4a: {  	_ =	shalt  }
0x4b: {  	_ =	shalt  }
0x4c: {  	_ =	shalt  }
0x4d: {  	_ =	shalt  }
0x4e: {  	_ =	shalt  }
0x4f: {  	_ =	shalt  }
0x50: {  	_ =	shalt  }
0x51: {  	_ =	shalt  }
0x52: {  	_ =	shalt  }
0x53: {  	_ =	shalt  }
0x54: {  	_ =	shalt  }
0x55: {  	_ =	shalt  }
0x56: {  	_ =	shalt  }
0x57: {  	_ =	shalt  }
0x58: {  	_ =	shalt  }
0x59: {  	_ =	shalt  }
0x5a: {  	_ =	shalt  }
0x5b: {  	_ =	shalt  }
0x5c: {  	_ =	shalt  }
0x5d: {  	_ =	shalt  }
0x5e: {  	_ =	shalt  }
0x5f: {  	_ =	shalt  }
0x60: {  	_ =	shalt  }
0x61: {  	_ =	shalt  }
0x62: {  	_ =	shalt  }
0x63: {  	_ =	shalt  }
0x64: {  	_ =	shalt  }
0x65: {  	_ =	shalt  }
0x66: {  	_ =	shalt  }
0x67: {  	_ =	shalt  }
0x68: {  	_ =	shalt  }
0x69: {  	_ =	shalt  }
0x6a: {  	_ =	shalt  }
0x6b: {  	_ =	shalt  }
0x6c: {  	_ =	shalt  }
0x6d: {  	_ =	shalt  }
0x6e: {  	_ =	shalt  }
0x6f: {  	_ =	shalt  }
0x70: {  	_ =	shalt  }
0x71: {  	_ =	shalt  }
0x72: {  	_ =	shalt  }
0x73: {  	_ =	shalt  }
0x74: {  	_ =	shalt  }
0x75: {  	_ =	shalt  }
0x76: {  	_ =	shalt  }
0x77: {  	_ =	shalt  }
0x78: {  	_ =	shalt  }
0x79: {  	_ =	shalt  }
0x7a: {  	_ =	shalt  }
0x7b: {  	_ =	shalt  }
0x7c: {  	_ =	shalt  }
0x7d: {  	_ =	shalt  }
0x7e: {  	_ =	shalt  }
0x7f: {  	_ =	shalt  }
0x80: {  	_ =	shalt  }
0x81: {  	_ =	shalt  }
0x82: {  	_ =	shalt  }
0x83: {  	_ =	shalt  }
0x84: {  	_ =	shalt  }
0x85: {  	_ =	shalt  }
0x86: {  	_ =	shalt  }
0x87: {  	_ =	shalt  }
.Lfunc_end0:
.L_simem_size_0:
called_computation_lowered:
.L_overlay_start_0:
0x88: {  	s2 =	sld [smem:$0x3FD9]  }
0x89: {  	s3 =	sld [smem:$0x3FFE];
	_ =	sdelay $0x1  }
0x8a: {  	s1 =	srdreg.scid  }
0x8b: {  	s0 =	sand.u32 $0x1, s1  }
0x8c: {  	s17 =	sshll.u32 s0, $0xA;
	s2 =	sadd.s32 s3, s2  }
0x8d: {  	s2 =	sadd.s32 s2, s17  }
0x8e: {  	[smem:$0x3FC3] =	sst s2  }
0x8f: {  	_ = 	snop  }
0x90: {  	s2 =	sld [smem:$0x3FD0];
	(tm) =	ssettm $0x1  }
0x91: {  	s18 =	sld [smem:$0x3FFB];
	_ =	sdelay $0x3  }
0x92: {  	_ =	strace s18  }
0x93: {  	s3 =	sld [smem:$0x3FFC];
	_ =	sdelay $0x3  }
0x94: {  	_ =	strace s3  }
0x95: {  	s3 =	sld [smem:$0x3FFD];
	_ =	sdelay $0x3  }
0x96: {  	_ =	strace s3  }
0x97: {  	_ =	strace $0x8FFFFFFF  }
0x98: {  	s19 =	sld [smem:$0x3FDB];
	_ =	sdelay $0x1  }
0x99: {  	s4 =	simm.s32 $_scs_section_size  }
0x9a: {  	s5 =	simm.s32 $_size__tile_overlayer_lowered;
	s6 =	simm.s32 $_tile_overlayer_lowered  }
0x9b: {  	s22 =	simm.s32 $0x1BFF;
	s21 =	sshll.u32 s6, $0x1;
	s3 =	sadd.s32 s4, s19  }
0x9c: {  	s7 =	simm.s32 $0x0;
	s20 =	sshll.u32 s5, $0x1;
	s5 =	sadd.s32 s21, s3  }
0x9d: {  	[timem:s7], [sflag:s22] =	dma.local [hbm:s5], s20  }
0x9e: {  	_ =	swait.ge [sflag:s22], s20  }
0x9f: {  	s4 =	ssub.s32 $0x0, s20;
	[sflag:s22] =	ssyncset.done $0x0  }
0xa0: {  	[sflag:s22] =	ssyncadd.s32 s4;
	_ =	sdelay $0x1  }
0xa1: {  	s23 =	simm.s32 $0x1B8B  }
0xa2: {  	_ =	swait.ge [sflag:s23], $0x1  }
0xa3: {  	[sflag:s23] =	ssyncset.done $0x0  }
0xa4: {  	s25 =	simm.s32 $0x1B8E;
	s24 =	sld [smem:$0x3FFE];
	[sflag:s23] =	ssyncadd.s32 $0xFFFFFFFF  }
0xa5: {  	s26 =	simm.s32 $execute0_lowered;
	[smem:$0x3FD2] =	sst s25  }
0xa6: {  	s5 =	sshll.u32 s26, $0x1;
	_ =	strace $0x80000046;
	[dreg:$0x1] =	wrdreg $0xFFFFFFFF  }
0xa7: {  	s28 =	simm.s32 $_size_execute0_lowered;
	s3 =	sadd.s32 s3, s5;
	[dreg:$0x0] =	wrdreg $0x0  }
0xa8: {  	s5 =	sshll.u32 s28, $0x1;
	[dreg:$0x2] =	wrdreg s3  }
0xa9: {  	[dreg:$0x3] =	wrdreg s5  }
0xaa: {  	[dreg:$0x4] =	wrdreg $0xC0  }
0xab: {  	_ =	task [dreg:s7], $0x5FFFF  }
0xac: {  	[dreg:$0x1] =	wrdreg $0xFFFFFFFF  }
0xad: {  	[dreg:$0x0] =	wrdreg $0x60  }
0xae: {  	[dreg:$0x2] =	wrdreg s24  }
0xaf: {  	[dreg:$0x3] =	wrdreg s2  }
0xb0: {  	[dreg:$0x4] =	wrdreg $0x9  }
0xb1: {  	_ =	task.clear_ibuf [dreg:s7], $0x5FFFF;
	_ =	strace $0x90000046  }
0xb2: {  	s29 =	simm.s32 $0x9;
	_ =	strace $0x80000048  }
0xb3: {  	_ =	swait.ge [sflag:s29], $0x1  }
0xb4: {  	[sflag:s29] =	ssyncadd.s32 $0xFFFFFFFF  }
0xb5: {  	_ =	strace $0x90000048  }
0xb6: {  	_ =	sfence  }
0xb7: {  	s30 =	sld [smem:$0x0];
	_ =	sdelay $0x2  }
0xb8: {  	s31 =	sshll.u32 s1, $0xD;
	s1 =	sshrl.u32 s1, $0x2  }
0xb9: {  	s3 =	sand.u32 $0x4000, s31;
	s1 =	sadd.s32 s1, s30  }
0xba: {  	s0 =	sor.u32 s3, s0;
	s1 =	sshll.u32 s1, $0x11  }
0xbb: {  	s0 =	sor.u32 s1, s0  }
0xbc: {  	s0 =	sadd.s32 $0x8F2B, s0  }
0xbd: {  	[sflag:s0] =	ssyncadd.remote.s32 $0x1  }
0xbe: {  	_ =	sfence.sel $0xFFFF  }
0xbf: {  	[dreg:$0x0] =	wrdreg $0xFFFFFFFF;
	(pc) =	sbr.abs _section_cstart, $3  }
0xc0: {  	[dreg:$0x1] =	wrdreg $0xFFFFFFFF  }
0xc1: {  	_ =	task.clear_ibuf [dreg:s7], $0x2FFFF;
	_ =	strace $0x9FFFFFFF  }
0xc2: {  	(tm) =	ssettm $0x7FFFFFFF  }
0xc3: {  	_ =	shalt  }
tec
execute0_lowered:
.L_overlay_start_1:
0x0: {  	(tag) =	ssettag $0x1  }
0x1: {  	s0 =	rddreg [dreg:$0x0]  }
0x2: {  	s1 =	srdreg.scid;
	s3 =	stileid.u32  }
0x3: {  	s17 =	rddreg [dreg:$0x1];
	s2 =	simm.s32 $0x0;
	s19 =	simm.s32 $0x5  }
0x4: {  	s28 =	simm.s32 $0x3;
	s29 =	simm.s32 $0x4;
	s30 =	simm.s32 $0x80  }
0x5: {  	s31 =	simm.s32 $0x400;
	s22 =	simm.s32 $0x0;
	s1 =	sand.u32 $0x1, s1  }
0x6: {  	s12 =	sshll.u32 s3, $0x1;
	s13 =	sshrl.u32 s3, $0x2;
	[smem:$0x7FF] =	sst s2  }
0x7: {  	s3 =	sadd.s32 $0x4800, s0;
	s24 =	sadd.s32 $0x1E00, s0;
	s11 =	sor.u32 s1, s12  }
0x8: {  	s4 =	sshll.u32 s13, $0xF;
	_ =	strace $0x80000047;
	s1 =	ssub.s32 $0x2, s1  }
0x9: {  	[dreg:$0x3] =	wrdreg s24;
	s13 =	sshll.u32 s13, $0xB;
	s12 =	ssub.s32 $0x184A, s12  }
0xa: {  	s24 =	simm.s32 $0x1;
	s23 =	sshll.u32 s11, $0x7;
	s25 =	sshrl.u32 s1, $0x1  }
0xb: {  	s26 =	sshll.u32 s11, $0x6;
	s9 =	sor.u32 $0x20, s11;
	s7 =	sshll.u32 s11, $0xA  }
0xc: {  	s10 =	sor.u32 $0x40, s11;
	s11 =	sor.u32 $0x60, s11;
	s14 =	sand.u32 $0x380, s23  }
0xd: {  	s1 =	ssub.s32 s1, s25;
	s8 =	sshll.u32 s9, $0x6;
	s9 =	sshll.u32 s9, $0xA  }
0xe: {  	s25 =	simm.s32 $0x2;
	s5 =	sor.u32 s4, s14;
	s4 =	sadd.s32 $0x31FC000, s0  }
0xf: {  	s8 =	sadd.s32 s3, s8;
	s15 =	sor.u32 s13, s14;
	s6 =	sshrl.u32 s5, $0x3  }
0x10: {  	s7 =	sadd.s32 s4, s7;
	s9 =	sadd.s32 s4, s9;
	s18 =	sshrl.u32 s15, $0x3  }
0x11: {  	s0 =	sadd.s32 s6, s0;
	s6 =	sadd.s32 s3, s26;
	s17 =	sadd.s32 s17, s18  }
0x12: {  	v0 =	vimm.f32 $0.0e+00;
	s18 =	smax.u32 s1, $0x1;
	s26 =	simm.s32 $0xC600;
	s13 =	sadd.s32 $0x66400, s0  }
0x13: {  	v1 =	vimm.f32 $-Inf;
	v2 =	vimm.f32 $+Inf;
	v3 =	vimm.f32 $1.000000000e+00;
	s14 =	sadd.s32 $0x6A400, s0;
	s15 =	sadd.s32 $0x6E400, s0;
	s16 =	sadd.s32 $0x72400, s0  }
.LBB2_1:
0x14: {  	s0 =	rddreg [dreg:$0x3]  }
0x15: {  	[tilespmem:s2], [sflag:$0x5] =	stream.linear.gather [hbm4b:s0+s2], $0x6200, $0x38;
	[tilespmem:$0x1C700] =	vst v63  }
0x16: {  	_ =	swait.ge [sflag:s19], $0x6200  }
0x17: {  	[sflag:s19] =	ssyncset.done $0x0  }
0x18: {  	s1 =	simm.s32 $0x40;
	s0 =	simm.s32 $0x0;
	[sflag:s19] =	ssyncadd.s32 $0xFFFF9E00  }
.LBB2_2:
0x19: {  	p0 =	sne.s32 s1, $0x3FC0;
	[tilespmem:s0+$0x1B700] =	vst v2  }
0x1a: {  	[tilespmem:s0+$0xA600] =	vst v0  }
0x1b: {  	[tilespmem:s0+$0xB600] =	vst v0  }
0x1c: {  	[tilespmem:s0+$0xC700] =	vst v1  }
0x1d: {  	[tilespmem:s0+$0x14700] =	vst v2  }
0x1e: {  	[tilespmem:s0+$0xD700] =	vst v1  }
0x1f: {  	[tilespmem:s0+$0x15700] =	vst v2  }
0x20: {  	[tilespmem:s0+$0xE700] =	vst v1  }
0x21: {  	[tilespmem:s0+$0x16700] =	vst v2  }
0x22: {  	[tilespmem:s0+$0xF700] =	vst v1  }
0x23: {  	[tilespmem:s0+$0x17700] =	vst v2  }
0x24: {  	[tilespmem:s0+$0x10700] =	vst v1  }
0x25: {  	[tilespmem:s0+$0x18700] =	vst v2  }
.Ltmp0:
0x26: {  	[tilespmem:s0+$0x11700] =	vst v1;
	(pc) =	sbr.rel @p0 .LBB2_2-.Ltmp0, $4  }
0x27: {  	[tilespmem:s0+$0x19700] =	vst v2  }
0x28: {  	[tilespmem:s0+$0x12700] =	vst v1  }
0x29: {  	[tilespmem:s0+$0x1A700] =	vst v2  }
0x2a: {  	[tilespmem:s0+$0x13700] =	vst v1;
	s0 =	sshra.s32 s1, $0x2;
	s1 =	sadd.s32 $0x40, s1  }
0x2b: {  	[tilespmem:s0+$0x1B700] =	vst v2  }
0x2c: {  	[tilespmem:s0+$0xA600] =	vst v0  }
0x2d: {  	[tilespmem:s0+$0xB600] =	vst v0  }
0x2e: {  	[tilespmem:s0+$0xC700] =	vst v1  }
0x2f: {  	[tilespmem:s0+$0x14700] =	vst v2  }
0x30: {  	[tilespmem:s0+$0xD700] =	vst v1  }
0x31: {  	[tilespmem:s0+$0x15700] =	vst v2  }
0x32: {  	[tilespmem:s0+$0xE700] =	vst v1  }
0x33: {  	[tilespmem:s0+$0x16700] =	vst v2  }
0x34: {  	[tilespmem:s0+$0xF700] =	vst v1  }
0x35: {  	[tilespmem:s0+$0x17700] =	vst v2  }
0x36: {  	[tilespmem:s0+$0x10700] =	vst v1  }
0x37: {  	[tilespmem:s0+$0x18700] =	vst v2  }
0x38: {  	[tilespmem:s0+$0x11700] =	vst v1  }
0x39: {  	[tilespmem:s0+$0x19700] =	vst v2  }
0x3a: {  	[tilespmem:s0+$0x12700] =	vst v1  }
0x3b: {  	[tilespmem:s0+$0x1A700] =	vst v2  }
0x3c: {  	[tilespmem:s0+$0x13700] =	vst v1  }
0x3d: {  	[tilespmem:$0xC600] =	vst v0  }
0x3e: {  	[tilespmem:$0xC610] =	vst v0  }
0x3f: {  	[tilespmem:$0xC620] =	vst v0  }
0x40: {  	[tilespmem:$0xC630] =	vst v0  }
0x41: {  	[tilespmem:$0xC640] =	vst v0  }
0x42: {  	[tilespmem:$0xC650] =	vst v0  }
0x43: {  	[tilespmem:$0xC660] =	vst v0  }
0x44: {  	[tilespmem:$0xC670] =	vst v0  }
0x45: {  	[tilespmem:$0xC680] =	vst v0  }
0x46: {  	[tilespmem:$0xC690] =	vst v0  }
0x47: {  	[tilespmem:$0xC6A0] =	vst v0  }
0x48: {  	[tilespmem:$0xC6B0] =	vst v0  }
0x49: {  	[tilespmem:$0xC6C0] =	vst v0  }
0x4a: {  	[tilespmem:$0xC6D0] =	vst v0  }
0x4b: {  	[tilespmem:$0xC6E0] =	vst v0  }
0x4c: {  	s23 =	simm.s32 $0x0;
	s1 =	simm.s32 $0x6200;
	[tilespmem:$0xC6F0] =	vst v0  }
0x4d: {  	[tilespmem:s1], [sflag:$0x1] =	stream.linear.gather [hbm4b:s6+s23], $0x200, $0x38;
	[tilespmem:$0x1C700] =	vst v63  }
0x4e: {  	s5 =	simm.s32 $0x6600  }
0x4f: {  	[tilespmem:s5], [sflag:$0x2] =	stream.linear.gather [hbm4b:s7+s23], $0x2000, $0x38;
	[tilespmem:$0x1C700] =	vst v63  }
.Ltmp1:
0x50: {  	_ = 	snop;
	(pc) =	sbr.rel .LBB2_4-.Ltmp1, $4  }
0x51: {  	s20 =	simm.s32 $0x6400  }
0x52: {  	[tilespmem:s20], [sflag:$0x3] =	stream.linear.gather [hbm4b:s8+s23], $0x200, $0x38;
	[tilespmem:$0x1C700] =	vst v63  }
0x53: {  	s21 =	simm.s32 $0x8600  }
0x54: {  	[tilespmem:s21], [sflag:$0x4] =	stream.linear.gather [hbm4b:s9+s23], $0x2000, $0x38;
	[tilespmem:$0x1C700] =	vst v63  }
.LBB2_9:
0x55: {  	s0 =	sadd.s32 s11, s1  }
0x56: {  	p0 =	sgt.u32 s0, $0x1869  }
0x57: {  	s1 =	sshll.u32 @!p0 s0, $0x6;
	s5 =	simm.s32 @!p0 $0x0  }
0x58: {  	s20 =	simm.s32 @!p0 $0x6400;
	s0 =	sshll.u32 @!p0 s0, $0xA;
	s1 =	sadd.s32 @!p0 s3, s1  }
0x59: {  	[tilespmem:s20], [sflag:$0x3] =	stream.linear.gather @!p0 [hbm4b:s1+s5], $0x200, $0x38;
	[tilespmem:$0x1C700] =	vst v63  }
0x5a: {  	s23 =	sadd.s32 $0x1, s23;
	s0 =	sadd.s32 @!p0 s4, s0;
	s1 =	simm.s32 @!p0 $0x8600  }
0x5b: {  	[tilespmem:s1], [sflag:$0x4] =	stream.linear.gather @!p0 [hbm4b:s0+s5], $0x2000, $0x38;
	[tilespmem:$0x1C700] =	vst v63  }
0x5c: {  	p0 =	sne.s32 s23, $0x62  }
.Ltmp2:
0x5d: {  	_ = 	snop;
	(pc) =	sbr.rel @!p0 .LBB2_10-.Ltmp2, $1  }
0x5e: {  	_ =	sdelay $0x3  }
.LBB2_4:
0x5f: {  	_ =	swait.ge [sflag:s24], $0x200  }
0x60: {  	[sflag:s24] =	ssyncset.done $0x0  }
0x61: {  	[sflag:s24] =	ssyncadd.s32 $0xFFFFFE00  }
0x62: {  	_ =	swait.ge [sflag:s25], $0x2000  }
0x63: {  	s1 =	sshll.u32 s23, $0x6;
	[sflag:s25] =	ssyncset.done $0x0  }
0x64: {  	s0 =	simm.s32 $0x6680;
	s20 =	simm.s32 $0x0;
	[sflag:s25] =	ssyncadd.s32 $0xFFFFE000  }
.LBB2_5:
0x65: {  	s21 =	sshra.s32 s20, $0x2  }
0x66: {  	v4 =	vld [tilespmem:s21+$0x6200];
	_ =	sdelay $0x4  }
0x67: {  	v5 =	vshrl.u32 v4, $0x2;
	_ =	sdelay $0x4  }
0x68: {  	v5 =	vld.idx.msk [tilespmem:v5+s2+$0x0], $0xffff;
	_ =	sdelay $0x2  }
0x69: {  	v4 =	vshll.u32 v4, $0x3  }
0x6a: {  	v4 =	vand.u32 $0x18, v4  }
0x6b: {  	v5 =	vshrl.u32 v5, v4  }
0x6c: {  	v4 =	vshll.u32 v5, $0x4  }
0x6d: {  	v4 =	vand.u32 $0xFF0, v4  }
0x6e: {  	(v2sf) =	vpush v4, $0x0;
	_ =	sdelay $0x7  }
0x6f: {  	v5 =	vand.u32 $0xFF, v5  }
0x70: {  	(v2sf) =	vpush v4, $0x1;
	_ =	sdelay $0x3  }
0x71: {  	[tilespmem:v5+s26+$0x0] =	vst.idx.add.f32.msk $0xffff, v3  }
0x72: {  	v5 =	vld [tilespmem:s0+$0xFFFFFF80]  }
0x73: {  	s5 =	spop (v2sf)  }
0x74: {  	v6 =	vld [tilespmem:s5+$0xC700]  }
0x75: {  	v7 =	vld [tilespmem:s5+$0x14700];
	_ =	sdelay $0x1  }
0x76: {  	v8 =	vmul.f32 v5, v5;
	(v2sf) =	vpush v4, $0x2  }
0x77: {  	[tilespmem:s5+$0xA600] =	vst.add.f32.msk $0xffff, v5  }
0x78: {  	[tilespmem:s5+$0xB600] =	vst.add.f32.msk $0xffff, v8;
	v6 =	vmax.f32 v6, v5  }
0x79: {  	v5 =	vmin.f32 v7, v5;
	[tilespmem:s5+$0xC700] =	vst v6  }
0x7a: {  	[tilespmem:s5+$0x14700] =	vst v5  }
0x7b: {  	s5 =	spop (v2sf);
	v5 =	vld [tilespmem:s0+$0xFFFFFF90]  }
0x7c: {  	v6 =	vld [tilespmem:s5+$0xD700]  }
0x7d: {  	v35 =	vld [tilespmem:s5+$0x15700];
	_ =	sdelay $0x2  }
0x7e: {  	(v2sf) =	vpush v4, $0x3  }
0x7f: {  	[tilespmem:s5+$0xA600] =	vst.add.f32.msk $0xffff, v5;
	v6 =	vmax.f32 v6, v5  }
0x80: {  	v36 =	vmul.f32 v5, v5;
	v5 =	vmin.f32 v35, v5;
	[tilespmem:s5+$0xD700] =	vst v6  }
0x81: {  	[tilespmem:s5+$0x15700] =	vst v5  }
0x82: {  	[tilespmem:s5+$0xB600] =	vst.add.f32.msk $0xffff, v36  }
0x83: {  	s5 =	spop (v2sf);
	v5 =	vld [tilespmem:s0+$0xFFFFFFA0]  }
0x84: {  	v6 =	vld [tilespmem:s5+$0xE700]  }
0x85: {  	v37 =	vld [tilespmem:s5+$0x16700];
	_ =	sdelay $0x2  }
0x86: {  	(v2sf) =	vpush v4, $0x4  }
0x87: {  	[tilespmem:s5+$0xA600] =	vst.add.f32.msk $0xffff, v5;
	v6 =	vmax.f32 v6, v5  }
0x88: {  	v38 =	vmul.f32 v5, v5;
	v5 =	vmin.f32 v37, v5;
	[tilespmem:s5+$0xE700] =	vst v6  }
0x89: {  	[tilespmem:s5+$0x16700] =	vst v5  }
0x8a: {  	[tilespmem:s5+$0xB600] =	vst.add.f32.msk $0xffff, v38  }
0x8b: {  	s5 =	spop (v2sf);
	v5 =	vld [tilespmem:s0+$0xFFFFFFB0]  }
0x8c: {  	v6 =	vld [tilespmem:s5+$0xF700]  }
0x8d: {  	v39 =	vld [tilespmem:s5+$0x17700];
	_ =	sdelay $0x2  }
0x8e: {  	(v2sf) =	vpush v4, $0x5  }
0x8f: {  	[tilespmem:s5+$0xA600] =	vst.add.f32.msk $0xffff, v5;
	v6 =	vmax.f32 v6, v5  }
0x90: {  	v40 =	vmul.f32 v5, v5;
	v5 =	vmin.f32 v39, v5;
	[tilespmem:s5+$0xF700] =	vst v6  }
0x91: {  	[tilespmem:s5+$0x17700] =	vst v5  }
0x92: {  	[tilespmem:s5+$0xB600] =	vst.add.f32.msk $0xffff, v40  }
0x93: {  	s5 =	spop (v2sf);
	v5 =	vld [tilespmem:s0+$0xFFFFFFC0]  }
0x94: {  	v6 =	vld [tilespmem:s5+$0x10700]  }
0x95: {  	v41 =	vld [tilespmem:s5+$0x18700];
	_ =	sdelay $0x2  }
0x96: {  	(v2sf) =	vpush v4, $0x6  }
0x97: {  	[tilespmem:s5+$0xA600] =	vst.add.f32.msk $0xffff, v5;
	v6 =	vmax.f32 v6, v5  }
0x98: {  	v42 =	vmul.f32 v5, v5;
	v5 =	vmin.f32 v41, v5;
	[tilespmem:s5+$0x10700] =	vst v6  }
0x99: {  	[tilespmem:s5+$0x18700] =	vst v5  }
0x9a: {  	[tilespmem:s5+$0xB600] =	vst.add.f32.msk $0xffff, v42  }
0x9b: {  	s5 =	spop (v2sf);
	v5 =	vld [tilespmem:s0+$0xFFFFFFD0]  }
0x9c: {  	v6 =	vld [tilespmem:s5+$0x11700]  }
0x9d: {  	v43 =	vld [tilespmem:s5+$0x19700];
	_ =	sdelay $0x2  }
0x9e: {  	(v2sf) =	vpush v4, $0x7  }
0x9f: {  	[tilespmem:s5+$0xA600] =	vst.add.f32.msk $0xffff, v5;
	v6 =	vmax.f32 v6, v5  }
0xa0: {  	v44 =	vmul.f32 v5, v5;
	v5 =	vmin.f32 v43, v5;
	[tilespmem:s5+$0x11700] =	vst v6  }
0xa1: {  	[tilespmem:s5+$0x19700] =	vst v5  }
0xa2: {  	[tilespmem:s5+$0xB600] =	vst.add.f32.msk $0xffff, v44  }
0xa3: {  	s5 =	spop (v2sf);
	v5 =	vld [tilespmem:s0+$0xFFFFFFE0]  }
0xa4: {  	v6 =	vld [tilespmem:s5+$0x12700]  }
0xa5: {  	v45 =	vld [tilespmem:s5+$0x1A700];
	_ =	sdelay $0x2  }
0xa6: {  	(v2sf) =	vpush v4, $0x8  }
0xa7: {  	[tilespmem:s5+$0xA600] =	vst.add.f32.msk $0xffff, v5;
	v6 =	vmax.f32 v6, v5  }
0xa8: {  	v46 =	vmul.f32 v5, v5;
	v5 =	vmin.f32 v45, v5;
	[tilespmem:s5+$0x12700] =	vst v6  }
0xa9: {  	[tilespmem:s5+$0x1A700] =	vst v5  }
0xaa: {  	[tilespmem:s5+$0xB600] =	vst.add.f32.msk $0xffff, v46  }
0xab: {  	s5 =	spop (v2sf);
	v5 =	vld [tilespmem:s0+$0xFFFFFFF0]  }
0xac: {  	v6 =	vld [tilespmem:s5+$0x13700]  }
0xad: {  	v47 =	vld [tilespmem:s5+$0x1B700];
	_ =	sdelay $0x2  }
0xae: {  	(v2sf) =	vpush v4, $0x9  }
0xaf: {  	[tilespmem:s5+$0xA600] =	vst.add.f32.msk $0xffff, v5;
	v6 =	vmax.f32 v6, v5  }
0xb0: {  	v48 =	vmul.f32 v5, v5;
	v5 =	vmin.f32 v47, v5;
	[tilespmem:s5+$0x13700] =	vst v6  }
0xb1: {  	[tilespmem:s5+$0x1B700] =	vst v5  }
0xb2: {  	[tilespmem:s5+$0xB600] =	vst.add.f32.msk $0xffff, v48  }
0xb3: {  	s5 =	spop (v2sf);
	v5 =	vld [tilespmem:s0+$0x0]  }
0xb4: {  	v6 =	vld [tilespmem:s5+$0xC700]  }
0xb5: {  	v49 =	vld [tilespmem:s5+$0x14700];
	_ =	sdelay $0x2  }
0xb6: {  	(v2sf) =	vpush v4, $0xA  }
0xb7: {  	[tilespmem:s5+$0xA600] =	vst.add.f32.msk $0xffff, v5;
	v6 =	vmax.f32 v6, v5  }
0xb8: {  	v50 =	vmul.f32 v5, v5;
	v5 =	vmin.f32 v49, v5;
	[tilespmem:s5+$0xC700] =	vst v6  }
0xb9: {  	[tilespmem:s5+$0x14700] =	vst v5  }
0xba: {  	[tilespmem:s5+$0xB600] =	vst.add.f32.msk $0xffff, v50  }
0xbb: {  	s5 =	spop (v2sf);
	v5 =	vld [tilespmem:s0+$0x10]  }
0xbc: {  	v6 =	vld [tilespmem:s5+$0xD700]  }
0xbd: {  	v51 =	vld [tilespmem:s5+$0x15700];
	_ =	sdelay $0x2  }
0xbe: {  	(v2sf) =	vpush v4, $0xB  }
0xbf: {  	[tilespmem:s5+$0xA600] =	vst.add.f32.msk $0xffff, v5;
	v6 =	vmax.f32 v6, v5  }
0xc0: {  	v52 =	vmul.f32 v5, v5;
	v5 =	vmin.f32 v51, v5;
	[tilespmem:s5+$0xD700] =	vst v6  }
0xc1: {  	[tilespmem:s5+$0x15700] =	vst v5  }
0xc2: {  	[tilespmem:s5+$0xB600] =	vst.add.f32.msk $0xffff, v52  }
0xc3: {  	s5 =	spop (v2sf);
	v5 =	vld [tilespmem:s0+$0x20]  }
0xc4: {  	v6 =	vld [tilespmem:s5+$0xE700]  }
0xc5: {  	v53 =	vld [tilespmem:s5+$0x16700];
	_ =	sdelay $0x2  }
0xc6: {  	(v2sf) =	vpush v4, $0xC  }
0xc7: {  	[tilespmem:s5+$0xA600] =	vst.add.f32.msk $0xffff, v5;
	v6 =	vmax.f32 v6, v5  }
0xc8: {  	v54 =	vmul.f32 v5, v5;
	v5 =	vmin.f32 v53, v5;
	[tilespmem:s5+$0xE700] =	vst v6  }
0xc9: {  	[tilespmem:s5+$0x16700] =	vst v5  }
0xca: {  	[tilespmem:s5+$0xB600] =	vst.add.f32.msk $0xffff, v54  }
0xcb: {  	s5 =	spop (v2sf);
	v5 =	vld [tilespmem:s0+$0x30]  }
0xcc: {  	v6 =	vld [tilespmem:s5+$0xF700]  }
0xcd: {  	v55 =	vld [tilespmem:s5+$0x17700];
	_ =	sdelay $0x2  }
0xce: {  	(v2sf) =	vpush v4, $0xD  }
0xcf: {  	[tilespmem:s5+$0xA600] =	vst.add.f32.msk $0xffff, v5;
	v6 =	vmax.f32 v6, v5  }
0xd0: {  	v56 =	vmul.f32 v5, v5;
	v5 =	vmin.f32 v55, v5;
	[tilespmem:s5+$0xF700] =	vst v6  }
0xd1: {  	[tilespmem:s5+$0x17700] =	vst v5  }
0xd2: {  	[tilespmem:s5+$0xB600] =	vst.add.f32.msk $0xffff, v56  }
0xd3: {  	s5 =	spop (v2sf);
	v5 =	vld [tilespmem:s0+$0x40]  }
0xd4: {  	v6 =	vld [tilespmem:s5+$0x10700]  }
0xd5: {  	v57 =	vld [tilespmem:s5+$0x18700];
	_ =	sdelay $0x2  }
0xd6: {  	(v2sf) =	vpush v4, $0xE  }
0xd7: {  	[tilespmem:s5+$0xA600] =	vst.add.f32.msk $0xffff, v5;
	v6 =	vmax.f32 v6, v5  }
0xd8: {  	v58 =	vmul.f32 v5, v5;
	v5 =	vmin.f32 v57, v5;
	[tilespmem:s5+$0x10700] =	vst v6  }
0xd9: {  	[tilespmem:s5+$0x18700] =	vst v5  }
0xda: {  	[tilespmem:s5+$0xB600] =	vst.add.f32.msk $0xffff, v58  }
0xdb: {  	s5 =	spop (v2sf);
	v5 =	vld [tilespmem:s0+$0x50]  }
0xdc: {  	v6 =	vld [tilespmem:s5+$0x11700]  }
0xdd: {  	v59 =	vld [tilespmem:s5+$0x19700];
	_ =	sdelay $0x2  }
0xde: {  	(v2sf) =	vpush v4, $0xF  }
0xdf: {  	[tilespmem:s5+$0xA600] =	vst.add.f32.msk $0xffff, v5;
	v6 =	vmax.f32 v6, v5  }
0xe0: {  	v60 =	vmul.f32 v5, v5;
	v4 =	vmin.f32 v59, v5;
	[tilespmem:s5+$0x11700] =	vst v6  }
0xe1: {  	[tilespmem:s5+$0x19700] =	vst v4  }
0xe2: {  	[tilespmem:s5+$0xB600] =	vst.add.f32.msk $0xffff, v60  }
0xe3: {  	s5 =	spop (v2sf);
	v4 =	vld [tilespmem:s0+$0x60]  }
0xe4: {  	v5 =	vld [tilespmem:s5+$0x12700]  }
0xe5: {  	v6 =	vld [tilespmem:s5+$0x1A700];
	_ =	sdelay $0x3  }
0xe6: {  	[tilespmem:s5+$0xA600] =	vst.add.f32.msk $0xffff, v4;
	v5 =	vmax.f32 v5, v4  }
0xe7: {  	v61 =	vmul.f32 v4, v4;
	v4 =	vmin.f32 v6, v4;
	[tilespmem:s5+$0x12700] =	vst v5  }
0xe8: {  	[tilespmem:s5+$0x1A700] =	vst v4  }
0xe9: {  	[tilespmem:s5+$0xB600] =	vst.add.f32.msk $0xffff, v61  }
0xea: {  	s5 =	spop (v2sf);
	v4 =	vld [tilespmem:s0+$0x70]  }
0xeb: {  	v5 =	vld [tilespmem:s5+$0x13700]  }
0xec: {  	v62 =	vld [tilespmem:s5+$0x1B700];
	_ =	sdelay $0x1  }
0xed: {  	p0 =	sne.s32 s20, $0x7C0  }
.Ltmp3:
0xee: {  	_ = 	snop;
	(pc) =	sbr.rel @p0 .LBB2_5-.Ltmp3, $4  }
0xef: {  	[tilespmem:s5+$0xA600] =	vst.add.f32.msk $0xffff, v4;
	v5 =	vmax.f32 v5, v4  }
0xf0: {  	v63 =	vmul.f32 v4, v4;
	v4 =	vmin.f32 v62, v4;
	[tilespmem:s5+$0x13700] =	vst v5  }
0xf1: {  	[tilespmem:s5+$0x1B700] =	vst v4  }
0xf2: {  	s20 =	sadd.s32 $0x40, s20;
	s0 =	sadd.s32 $0x100, s0;
	[tilespmem:s5+$0xB600] =	vst.add.f32.msk $0xffff, v63  }
0xf3: {  	s0 =	sadd.s32 s10, s1  }
0xf4: {  	p0 =	sgt.u32 s0, $0x1869  }
0xf5: {  	s20 =	sshll.u32 @!p0 s0, $0x6;
	s21 =	simm.s32 @!p0 $0x0  }
0xf6: {  	s5 =	simm.s32 @!p0 $0x6200;
	s0 =	sshll.u32 @!p0 s0, $0xA;
	s20 =	sadd.s32 @!p0 s3, s20  }
0xf7: {  	[tilespmem:s5], [sflag:$0x1] =	stream.linear.gather @!p0 [hbm4b:s20+s21], $0x200, $0x38;
	[tilespmem:$0x1C700] =	vst v63  }
0xf8: {  	s0 =	sadd.s32 @!p0 s4, s0;
	s5 =	simm.s32 @!p0 $0x6600  }
0xf9: {  	[tilespmem:s5], [sflag:$0x2] =	stream.linear.gather @!p0 [hbm4b:s0+s21], $0x2000, $0x38;
	[tilespmem:$0x1C700] =	vst v63  }
0xfa: {  	p0 =	sge.u32 s1, s12  }
.Ltmp4:
0xfb: {  	_ = 	snop;
	(pc) =	sbr.rel @p0 .LBB2_9-.Ltmp4, $1  }
0xfc: {  	_ =	sdelay $0x3  }
0xfd: {  	_ =	swait.ge [sflag:s28], $0x200  }
0xfe: {  	[sflag:s28] =	ssyncset.done $0x0  }
0xff: {  	[sflag:s28] =	ssyncadd.s32 $0xFFFFFE00  }
0x100: {  	_ =	swait.ge [sflag:s29], $0x2000  }
0x101: {  	[sflag:s29] =	ssyncset.done $0x0  }
0x102: {  	s0 =	simm.s32 $0x0;
	s20 =	simm.s32 $0x8680;
	[sflag:s29] =	ssyncadd.s32 $0xFFFFE000  }
.LBB2_8:
0x103: {  	s5 =	sshra.s32 s0, $0x2  }
0x104: {  	v4 =	vld [tilespmem:s5+$0x6400];
	_ =	sdelay $0x4  }
0x105: {  	v5 =	vshrl.u32 v4, $0x2;
	_ =	sdelay $0x4  }
0x106: {  	v5 =	vld.idx.msk [tilespmem:v5+s2+$0x0], $0xffff;
	_ =	sdelay $0x2  }
0x107: {  	v4 =	vshll.u32 v4, $0x3  }
0x108: {  	v4 =	vand.u32 $0x18, v4  }
0x109: {  	v5 =	vshrl.u32 v5, v4  }
0x10a: {  	v4 =	vshll.u32 v5, $0x4  }
0x10b: {  	v4 =	vand.u32 $0xFF0, v4  }
0x10c: {  	(v2sf) =	vpush v4, $0x0;
	_ =	sdelay $0x7  }
0x10d: {  	v5 =	vand.u32 $0xFF, v5  }
0x10e: {  	(v2sf) =	vpush v4, $0x1;
	_ =	sdelay $0x3  }
0x10f: {  	[tilespmem:v5+s26+$0x0] =	vst.idx.add.f32.msk $0xffff, v3  }
0x110: {  	v5 =	vld [tilespmem:s20+$0xFFFFFF80]  }
0x111: {  	s21 =	spop (v2sf)  }
0x112: {  	v6 =	vld [tilespmem:s21+$0xC700]  }
0x113: {  	v7 =	vld [tilespmem:s21+$0x14700];
	_ =	sdelay $0x1  }
0x114: {  	v8 =	vmul.f32 v5, v5;
	(v2sf) =	vpush v4, $0x2  }
0x115: {  	[tilespmem:s21+$0xA600] =	vst.add.f32.msk $0xffff, v5  }
0x116: {  	[tilespmem:s21+$0xB600] =	vst.add.f32.msk $0xffff, v8;
	v6 =	vmax.f32 v6, v5  }
0x117: {  	v5 =	vmin.f32 v7, v5;
	[tilespmem:s21+$0xC700] =	vst v6  }
0x118: {  	[tilespmem:s21+$0x14700] =	vst v5  }
0x119: {  	s21 =	spop (v2sf);
	v5 =	vld [tilespmem:s20+$0xFFFFFF90]  }
0x11a: {  	v6 =	vld [tilespmem:s21+$0xD700]  }
0x11b: {  	v35 =	vld [tilespmem:s21+$0x15700];
	_ =	sdelay $0x2  }
0x11c: {  	(v2sf) =	vpush v4, $0x3  }
0x11d: {  	[tilespmem:s21+$0xA600] =	vst.add.f32.msk $0xffff, v5;
	v6 =	vmax.f32 v6, v5  }
0x11e: {  	v36 =	vmul.f32 v5, v5;
	v5 =	vmin.f32 v35, v5;
	[tilespmem:s21+$0xD700] =	vst v6  }
0x11f: {  	[tilespmem:s21+$0x15700] =	vst v5  }
0x120: {  	[tilespmem:s21+$0xB600] =	vst.add.f32.msk $0xffff, v36  }
0x121: {  	s21 =	spop (v2sf);
	v5 =	vld [tilespmem:s20+$0xFFFFFFA0]  }
0x122: {  	v6 =	vld [tilespmem:s21+$0xE700]  }
0x123: {  	v37 =	vld [tilespmem:s21+$0x16700];
	_ =	sdelay $0x2  }
0x124: {  	(v2sf) =	vpush v4, $0x4  }
0x125: {  	[tilespmem:s21+$0xA600] =	vst.add.f32.msk $0xffff, v5;
	v6 =	vmax.f32 v6, v5  }
0x126: {  	v38 =	vmul.f32 v5, v5;
	v5 =	vmin.f32 v37, v5;
	[tilespmem:s21+$0xE700] =	vst v6  }
0x127: {  	[tilespmem:s21+$0x16700] =	vst v5  }
0x128: {  	[tilespmem:s21+$0xB600] =	vst.add.f32.msk $0xffff, v38  }
0x129: {  	s21 =	spop (v2sf);
	v5 =	vld [tilespmem:s20+$0xFFFFFFB0]  }
0x12a: {  	v6 =	vld [tilespmem:s21+$0xF700]  }
0x12b: {  	v39 =	vld [tilespmem:s21+$0x17700];
	_ =	sdelay $0x2  }
0x12c: {  	(v2sf) =	vpush v4, $0x5  }
0x12d: {  	[tilespmem:s21+$0xA600] =	vst.add.f32.msk $0xffff, v5;
	v6 =	vmax.f32 v6, v5  }
0x12e: {  	v40 =	vmul.f32 v5, v5;
	v5 =	vmin.f32 v39, v5;
	[tilespmem:s21+$0xF700] =	vst v6  }
0x12f: {  	[tilespmem:s21+$0x17700] =	vst v5  }
0x130: {  	[tilespmem:s21+$0xB600] =	vst.add.f32.msk $0xffff, v40  }
0x131: {  	s21 =	spop (v2sf);
	v5 =	vld [tilespmem:s20+$0xFFFFFFC0]  }
0x132: {  	v6 =	vld [tilespmem:s21+$0x10700]  }
0x133: {  	v41 =	vld [tilespmem:s21+$0x18700];
	_ =	sdelay $0x2  }
0x134: {  	(v2sf) =	vpush v4, $0x6  }
0x135: {  	[tilespmem:s21+$0xA600] =	vst.add.f32.msk $0xffff, v5;
	v6 =	vmax.f32 v6, v5  }
0x136: {  	v42 =	vmul.f32 v5, v5;
	v5 =	vmin.f32 v41, v5;
	[tilespmem:s21+$0x10700] =	vst v6  }
0x137: {  	[tilespmem:s21+$0x18700] =	vst v5  }
0x138: {  	[tilespmem:s21+$0xB600] =	vst.add.f32.msk $0xffff, v42  }
0x139: {  	s21 =	spop (v2sf);
	v5 =	vld [tilespmem:s20+$0xFFFFFFD0]  }
0x13a: {  	v6 =	vld [tilespmem:s21+$0x11700]  }
0x13b: {  	v43 =	vld [tilespmem:s21+$0x19700];
	_ =	sdelay $0x2  }
0x13c: {  	(v2sf) =	vpush v4, $0x7  }
0x13d: {  	[tilespmem:s21+$0xA600] =	vst.add.f32.msk $0xffff, v5;
	v6 =	vmax.f32 v6, v5  }
0x13e: {  	v44 =	vmul.f32 v5, v5;
	v5 =	vmin.f32 v43, v5;
	[tilespmem:s21+$0x11700] =	vst v6  }
0x13f: {  	[tilespmem:s21+$0x19700] =	vst v5  }
0x140: {  	[tilespmem:s21+$0xB600] =	vst.add.f32.msk $0xffff, v44  }
0x141: {  	s21 =	spop (v2sf);
	v5 =	vld [tilespmem:s20+$0xFFFFFFE0]  }
0x142: {  	v6 =	vld [tilespmem:s21+$0x12700]  }
0x143: {  	v45 =	vld [tilespmem:s21+$0x1A700];
	_ =	sdelay $0x2  }
0x144: {  	(v2sf) =	vpush v4, $0x8  }
0x145: {  	[tilespmem:s21+$0xA600] =	vst.add.f32.msk $0xffff, v5;
	v6 =	vmax.f32 v6, v5  }
0x146: {  	v46 =	vmul.f32 v5, v5;
	v5 =	vmin.f32 v45, v5;
	[tilespmem:s21+$0x12700] =	vst v6  }
0x147: {  	[tilespmem:s21+$0x1A700] =	vst v5  }
0x148: {  	[tilespmem:s21+$0xB600] =	vst.add.f32.msk $0xffff, v46  }
0x149: {  	s21 =	spop (v2sf);
	v5 =	vld [tilespmem:s20+$0xFFFFFFF0]  }
0x14a: {  	v6 =	vld [tilespmem:s21+$0x13700]  }
0x14b: {  	v47 =	vld [tilespmem:s21+$0x1B700];
	_ =	sdelay $0x2  }
0x14c: {  	(v2sf) =	vpush v4, $0x9  }
0x14d: {  	[tilespmem:s21+$0xA600] =	vst.add.f32.msk $0xffff, v5;
	v6 =	vmax.f32 v6, v5  }
0x14e: {  	v48 =	vmul.f32 v5, v5;
	v5 =	vmin.f32 v47, v5;
	[tilespmem:s21+$0x13700] =	vst v6  }
0x14f: {  	[tilespmem:s21+$0x1B700] =	vst v5  }
0x150: {  	[tilespmem:s21+$0xB600] =	vst.add.f32.msk $0xffff, v48  }
0x151: {  	s21 =	spop (v2sf);
	v5 =	vld [tilespmem:s20+$0x0]  }
0x152: {  	v6 =	vld [tilespmem:s21+$0xC700]  }
0x153: {  	v49 =	vld [tilespmem:s21+$0x14700];
	_ =	sdelay $0x2  }
0x154: {  	(v2sf) =	vpush v4, $0xA  }
0x155: {  	[tilespmem:s21+$0xA600] =	vst.add.f32.msk $0xffff, v5;
	v6 =	vmax.f32 v6, v5  }
0x156: {  	v50 =	vmul.f32 v5, v5;
	v5 =	vmin.f32 v49, v5;
	[tilespmem:s21+$0xC700] =	vst v6  }
0x157: {  	[tilespmem:s21+$0x14700] =	vst v5  }
0x158: {  	[tilespmem:s21+$0xB600] =	vst.add.f32.msk $0xffff, v50  }
0x159: {  	s21 =	spop (v2sf);
	v5 =	vld [tilespmem:s20+$0x10]  }
0x15a: {  	v6 =	vld [tilespmem:s21+$0xD700]  }
0x15b: {  	v51 =	vld [tilespmem:s21+$0x15700];
	_ =	sdelay $0x2  }
0x15c: {  	(v2sf) =	vpush v4, $0xB  }
0x15d: {  	[tilespmem:s21+$0xA600] =	vst.add.f32.msk $0xffff, v5;
	v6 =	vmax.f32 v6, v5  }
0x15e: {  	v52 =	vmul.f32 v5, v5;
	v5 =	vmin.f32 v51, v5;
	[tilespmem:s21+$0xD700] =	vst v6  }
0x15f: {  	[tilespmem:s21+$0x15700] =	vst v5  }
0x160: {  	[tilespmem:s21+$0xB600] =	vst.add.f32.msk $0xffff, v52  }
0x161: {  	s21 =	spop (v2sf);
	v5 =	vld [tilespmem:s20+$0x20]  }
0x162: {  	v6 =	vld [tilespmem:s21+$0xE700]  }
0x163: {  	v53 =	vld [tilespmem:s21+$0x16700];
	_ =	sdelay $0x2  }
0x164: {  	(v2sf) =	vpush v4, $0xC  }
0x165: {  	[tilespmem:s21+$0xA600] =	vst.add.f32.msk $0xffff, v5;
	v6 =	vmax.f32 v6, v5  }
0x166: {  	v54 =	vmul.f32 v5, v5;
	v5 =	vmin.f32 v53, v5;
	[tilespmem:s21+$0xE700] =	vst v6  }
0x167: {  	[tilespmem:s21+$0x16700] =	vst v5  }
0x168: {  	[tilespmem:s21+$0xB600] =	vst.add.f32.msk $0xffff, v54  }
0x169: {  	s21 =	spop (v2sf);
	v5 =	vld [tilespmem:s20+$0x30]  }
0x16a: {  	v6 =	vld [tilespmem:s21+$0xF700]  }
0x16b: {  	v55 =	vld [tilespmem:s21+$0x17700];
	_ =	sdelay $0x2  }
0x16c: {  	(v2sf) =	vpush v4, $0xD  }
0x16d: {  	[tilespmem:s21+$0xA600] =	vst.add.f32.msk $0xffff, v5;
	v6 =	vmax.f32 v6, v5  }
0x16e: {  	v56 =	vmul.f32 v5, v5;
	v5 =	vmin.f32 v55, v5;
	[tilespmem:s21+$0xF700] =	vst v6  }
0x16f: {  	[tilespmem:s21+$0x17700] =	vst v5  }
0x170: {  	[tilespmem:s21+$0xB600] =	vst.add.f32.msk $0xffff, v56  }
0x171: {  	s21 =	spop (v2sf);
	v5 =	vld [tilespmem:s20+$0x40]  }
0x172: {  	v6 =	vld [tilespmem:s21+$0x10700]  }
0x173: {  	v57 =	vld [tilespmem:s21+$0x18700];
	_ =	sdelay $0x2  }
0x174: {  	(v2sf) =	vpush v4, $0xE  }
0x175: {  	[tilespmem:s21+$0xA600] =	vst.add.f32.msk $0xffff, v5;
	v6 =	vmax.f32 v6, v5  }
0x176: {  	v58 =	vmul.f32 v5, v5;
	v5 =	vmin.f32 v57, v5;
	[tilespmem:s21+$0x10700] =	vst v6  }
0x177: {  	[tilespmem:s21+$0x18700] =	vst v5  }
0x178: {  	[tilespmem:s21+$0xB600] =	vst.add.f32.msk $0xffff, v58  }
0x179: {  	s21 =	spop (v2sf);
	v5 =	vld [tilespmem:s20+$0x50]  }
0x17a: {  	v6 =	vld [tilespmem:s21+$0x11700]  }
0x17b: {  	v59 =	vld [tilespmem:s21+$0x19700];
	_ =	sdelay $0x2  }
0x17c: {  	(v2sf) =	vpush v4, $0xF  }
0x17d: {  	[tilespmem:s21+$0xA600] =	vst.add.f32.msk $0xffff, v5;
	v6 =	vmax.f32 v6, v5  }
0x17e: {  	v60 =	vmul.f32 v5, v5;
	v4 =	vmin.f32 v59, v5;
	[tilespmem:s21+$0x11700] =	vst v6  }
0x17f: {  	[tilespmem:s21+$0x19700] =	vst v4  }
0x180: {  	[tilespmem:s21+$0xB600] =	vst.add.f32.msk $0xffff, v60  }
0x181: {  	s21 =	spop (v2sf);
	v4 =	vld [tilespmem:s20+$0x60]  }
0x182: {  	v5 =	vld [tilespmem:s21+$0x12700]  }
0x183: {  	v6 =	vld [tilespmem:s21+$0x1A700];
	_ =	sdelay $0x3  }
0x184: {  	[tilespmem:s21+$0xA600] =	vst.add.f32.msk $0xffff, v4;
	v5 =	vmax.f32 v5, v4  }
0x185: {  	v61 =	vmul.f32 v4, v4;
	v4 =	vmin.f32 v6, v4;
	[tilespmem:s21+$0x12700] =	vst v5  }
0x186: {  	[tilespmem:s21+$0x1A700] =	vst v4  }
0x187: {  	[tilespmem:s21+$0xB600] =	vst.add.f32.msk $0xffff, v61  }
0x188: {  	s21 =	spop (v2sf);
	v4 =	vld [tilespmem:s20+$0x70]  }
0x189: {  	v5 =	vld [tilespmem:s21+$0x13700]  }
0x18a: {  	v62 =	vld [tilespmem:s21+$0x1B700];
	_ =	sdelay $0x1  }
0x18b: {  	p0 =	sne.s32 s0, $0x7C0  }
.Ltmp5:
0x18c: {  	_ = 	snop;
	(pc) =	sbr.rel @p0 .LBB2_8-.Ltmp5, $4  }
0x18d: {  	[tilespmem:s21+$0xA600] =	vst.add.f32.msk $0xffff, v4;
	v5 =	vmax.f32 v5, v4  }
0x18e: {  	v63 =	vmul.f32 v4, v4;
	v4 =	vmin.f32 v62, v4;
	[tilespmem:s21+$0x13700] =	vst v5  }
0x18f: {  	[tilespmem:s21+$0x1B700] =	vst v4  }
0x190: {  	s0 =	sadd.s32 $0x40, s0;
	s20 =	sadd.s32 $0x100, s20;
	[tilespmem:s21+$0xB600] =	vst.add.f32.msk $0xffff, v63  }
.Ltmp6:
0x191: {  	_ = 	snop;
	(pc) =	sbr.rel .LBB2_9-.Ltmp6, $1  }
0x192: {  	_ =	sdelay $0x3  }
.LBB2_10:
0x193: {  	s0 =	simm.s32 $0x0  }
0x194: {  	v4 =	vld [tilespmem:s0+$0x13700]  }
0x195: {  	v6 =	vld [tilespmem:s0+$0x12700]  }
0x196: {  	v5 =	vld [tilespmem:s0+$0x11700]  }
0x197: {  	v7 =	vld [tilespmem:s0+$0x10700]  }
0x198: {  	v8 =	vld [tilespmem:s0+$0xF700]  }
0x199: {  	v9 =	vld [tilespmem:s0+$0xE700]  }
0x19a: {  	v11 =	vld [tilespmem:s0+$0xD700]  }
0x19b: {  	v10 =	vld [tilespmem:s0+$0x15700]  }
0x19c: {  	s1 =	simm.s32 $0x40;
	v12 =	vld [tilespmem:s0+$0xC700]  }
.LBB2_11:
0x19d: {  	p0 =	sne.s32 s1, $0x3FC0;
	v13 =	vld [tilespmem:s0+$0x14700]  }
0x19e: {  	v14 =	vld [tilespmem:s0+$0x16700]  }
0x19f: {  	v15 =	vld [tilespmem:s0+$0x17700]  }
0x1a0: {  	v16 =	vld [tilespmem:s0+$0x18700]  }
0x1a1: {  	v11 =	vmax.f32 v12, v11;
	v12 =	vld [tilespmem:s0+$0x19700]  }
0x1a2: {  	v10 =	vmin.f32 v13, v10;
	v9 =	vmax.f32 v11, v9;
	v11 =	vld [tilespmem:s0+$0x1A700]  }
0x1a3: {  	s5 =	sshra.s32 s1, $0x2;
	v10 =	vmin.f32 v10, v14;
	v8 =	vmax.f32 v9, v8;
	v9 =	vld [tilespmem:s0+$0x1B700]  }
0x1a4: {  	v13 =	vld [tilespmem:s5+$0x13700];
	v10 =	vmin.f32 v10, v15;
	v7 =	vmax.f32 v8, v7  }
0x1a5: {  	v14 =	vld [tilespmem:s5+$0x12700];
	v8 =	vmin.f32 v10, v16;
	v7 =	vmax.f32 v7, v5  }
0x1a6: {  	v5 =	vld [tilespmem:s5+$0x11700];
	v8 =	vmin.f32 v8, v12;
	v6 =	vmax.f32 v7, v6  }
0x1a7: {  	v7 =	vld [tilespmem:s5+$0x10700];
	v10 =	vmin.f32 v8, v11;
	v11 =	vmax.f32 v6, v4  }
.Ltmp7:
0x1a8: {  	v8 =	vld [tilespmem:s5+$0xF700];
	v10 =	vmin.f32 v10, v9;
	[tilespmem:s0+$0xC700] =	vst v11;
	(pc) =	sbr.rel @p0 .LBB2_11-.Ltmp7, $4  }
0x1a9: {  	v9 =	vld [tilespmem:s5+$0xE700];
	[tilespmem:s0+$0x14700] =	vst v10;
	v4 =	vmov v13;
	s0 =	smov.u32 s5  }
0x1aa: {  	v11 =	vld [tilespmem:s0+$0xD700];
	v6 =	vmov v14  }
0x1ab: {  	v10 =	vld [tilespmem:s0+$0x15700]  }
0x1ac: {  	s1 =	sadd.s32 $0x40, s1;
	v12 =	vld [tilespmem:s0+$0xC700]  }
0x1ad: {  	v13 =	vld [tilespmem:s0+$0x14700]  }
0x1ae: {  	v14 =	vld [tilespmem:s0+$0x16700]  }
0x1af: {  	v15 =	vld [tilespmem:s0+$0x17700]  }
0x1b0: {  	v16 =	vld [tilespmem:s0+$0x18700]  }
0x1b1: {  	v58 =	vld [tilespmem:s0+$0x19700];
	v11 =	vmax.f32 v12, v11  }
0x1b2: {  	v59 =	vld [tilespmem:s0+$0x1A700];
	v10 =	vmin.f32 v13, v10;
	v9 =	vmax.f32 v11, v9  }
0x1b3: {  	v60 =	vld [tilespmem:s0+$0x1B700];
	v10 =	vmin.f32 v10, v14;
	v8 =	vmax.f32 v9, v8  }
0x1b4: {  	v10 =	vmin.f32 v10, v15;
	v7 =	vmax.f32 v8, v7  }
0x1b5: {  	v61 =	vmin.f32 v10, v16;
	v5 =	vmax.f32 v7, v5  }
0x1b6: {  	v62 =	vmin.f32 v61, v58;
	v5 =	vmax.f32 v5, v6  }
0x1b7: {  	v63 =	vmin.f32 v62, v59;
	v4 =	vmax.f32 v5, v4  }
0x1b8: {  	v5 =	vmin.f32 v63, v60;
	[tilespmem:s0+$0xC700] =	vst v4  }
0x1b9: {  	s5 =	simm.s32 $0xA600;
	[tilespmem:s0+$0x14700] =	vst v5  }
0x1ba: {  	[hbm4b:s13+s30] =	stream.strided.scatter [tilespmem:s5], [sflag:$0x5], $0x1000, s31, s30, $0x38;
	[tilespmem:$0x1C700] =	vst v63  }
0x1bb: {  	_ =	swait.ge [sflag:s19], $0x1000  }
0x1bc: {  	[sflag:s19] =	ssyncset.done $0x0  }
0x1bd: {  	s20 =	simm.s32 $0xB600;
	[sflag:s19] =	ssyncadd.s32 $0xFFFFF000  }
0x1be: {  	[hbm4b:s14+s30] =	stream.strided.scatter [tilespmem:s20], [sflag:$0x5], $0x1000, s31, s30, $0x38;
	[tilespmem:$0x1C700] =	vst v63  }
0x1bf: {  	_ =	swait.ge [sflag:s19], $0x1000  }
0x1c0: {  	[sflag:s19] =	ssyncset.done $0x0  }
0x1c1: {  	s21 =	simm.s32 $0xC700;
	[sflag:s19] =	ssyncadd.s32 $0xFFFFF000  }
0x1c2: {  	[hbm4b:s15+s30] =	stream.strided.scatter [tilespmem:s21], [sflag:$0x5], $0x1000, s31, s30, $0x38;
	[tilespmem:$0x1C700] =	vst v63  }
0x1c3: {  	_ =	swait.ge [sflag:s19], $0x1000  }
0x1c4: {  	[sflag:s19] =	ssyncset.done $0x0  }
0x1c5: {  	s23 =	simm.s32 $0x14700;
	[sflag:s19] =	ssyncadd.s32 $0xFFFFF000  }
0x1c6: {  	[hbm4b:s16+s30] =	stream.strided.scatter [tilespmem:s23], [sflag:$0x5], $0x1000, s31, s30, $0x38;
	[tilespmem:$0x1C700] =	vst v63  }
0x1c7: {  	s22 =	sadd.s32 $0x1, s22;
	_ =	swait.ge [sflag:s19], $0x1000  }
0x1c8: {  	p0 =	sne.s32 s22, s18;
	[sflag:s19] =	ssyncset.done $0x0  }
.Ltmp8:
0x1c9: {  	[sflag:s19] =	ssyncadd.s32 $0xFFFFF000;
	(pc) =	sbr.rel @p0 .LBB2_1-.Ltmp8, $4  }
0x1ca: {  	[hbm4b:s17+s30] =	stream.strided.scatter [tilespmem:s26], [sflag:$0x5], $0x100, s31, s30, $0x38;
	[tilespmem:$0x1C700] =	vst v63  }
0x1cb: {  	_ =	swait.ge [sflag:s19], $0x100  }
0x1cc: {  	[sflag:s19] =	ssyncset.done $0x0  }
0x1cd: {  	[sflag:s19] =	ssyncadd.s32 $0xFFFFFF00  }
0x1ce: {  	_ =	sfence.sel $0x180000  }
0x1cf: {  	[bflag:$0x0] =	sbarrier.arrive $0xFFFF  }
0x1d0: {  	_ =	strace $0x90000047  }
0x1d1: {  	s0 =	stileid.u32;
	[bflag:$0x2] =	sbarrier.arrive $0xFFFF  }
0x1d2: {  	p0 =	sne.s32 s0, $0x0;
	s0 =	rddreg [dreg:$0x2]  }
0x1d3: {  	s0 =	sadd.s32 @!p0 $0x100000, s0  }
0x1d4: {  	[sflag:s0] =	ssyncadd.tile.s32 @!p0 $0x1;
	_ =	shalt  }
.Lfunc_end2:
_tile_overlayer_lowered:
.L_overlay_start_2:
0x1d5: {  	(tag) =	ssettag $0x2  }
0x1d6: {  	s0 =	rddreg [dreg:$0x0];
	s2 =	stileid.u32  }
0x1d7: {  	s1 =	rddreg [dreg:$0x1];
	p0 =	sne.s32 s2, $0x0  }
0x1d8: {  	s3 =	rddreg [dreg:$0x2];
	[bflag:$0x3] =	sbarrier.arrive $0xFFFF;
	s2 =	simm.s32 @!p0 $0x1C05  }
0x1d9: {  	[timem:s3], [sflag:s2] =	dma.local @!p0 [hbm:s0], s1  }
0x1da: {  	s0 =	simm.s32 @!p0 $0x5  }
0x1db: {  	_ =	swait.ge @!p0 [sflag:s0], s1  }
0x1dc: {  	s1 =	ssub.s32 @!p0 $0x0, s1;
	[sflag:s0] =	ssyncset.done @!p0 $0x0  }
0x1dd: {  	[sflag:s0] =	ssyncadd.s32 @!p0 s1  }
0x1de: {  	[bflag:$0x3] =	sbarrier.arrive $0xFFFF  }
0x1df: {  	_ =	shalt  }

</sc_bundles>
